<compile_context>
chip_gen: v7x
topology: tpu7x:2x2x1
jax: 0.10.2.dev20260603
libtpu: 0.0.44.dev20260713+nightly
codegen_flags: <defaults>
</compile_context>

<pallas_src>
import functools

import jax
import jax.numpy as jnp
from jax import lax
from jax.experimental import pallas as pl
from jax.experimental.pallas import tpu as pltpu
from jax.experimental.pallas import tpu_sc as plsc

S = 2048
D_MODEL = 768
INTER = 1024
E = 64
T_TILE = 64
MAX_TILES = E + S // T_TILE
NPAD = MAX_TILES * T_TILE
NXT = NPAD + T_TILE
D_ROW = D_MODEL + 128


def _route_body(hs_ref, rw_ref, dest_ref, hsw_ref, t2e_ref, act_ref):
    hs = hs_ref[...]
    rw = rw_ref[...]
    logits = lax.dot_general(hs, rw, (((1,), (1,)), ((), ())),
                             preferred_element_type=jnp.float32)
    m = jnp.max(logits, axis=1, keepdims=True)
    z = jnp.sum(jnp.exp(logits - m), axis=1, keepdims=True)
    w = 1.0 / z
    hsw_ref[...] = jnp.concatenate(
        [hs, jnp.broadcast_to(w, (S, D_ROW - D_MODEL))], axis=1)

    eids = lax.broadcasted_iota(jnp.int32, (S, E), 1)
    is_max = logits == m
    e_sel = jnp.min(jnp.where(is_max, eids, E), axis=1, keepdims=True)
    onehot = eids == e_sel
    oh_b = onehot.astype(jnp.bfloat16)

    ti = lax.broadcasted_iota(jnp.int32, (S, S), 0)
    tj = lax.broadcasted_iota(jnp.int32, (S, S), 1)
    tri = (tj < ti).astype(jnp.bfloat16)
    rank = lax.dot_general(tri, oh_b, (((1,), (0,)), ((), ())),
                           preferred_element_type=jnp.float32)

    counts = jnp.sum(onehot.astype(jnp.int32), axis=0, keepdims=True)
    tiles = (counts + (T_TILE - 1)) // T_TILE
    ei = lax.broadcasted_iota(jnp.int32, (E, E), 0)
    ej = lax.broadcasted_iota(jnp.int32, (E, E), 1)
    tri_e = (ei < ej).astype(jnp.float32)
    tile_start = lax.dot_general(tiles.astype(jnp.float32), tri_e,
                                 (((1,), (0,)), ((), ())),
                                 preferred_element_type=jnp.float32)
    pad_off = tile_start * float(T_TILE)

    dest_f = jnp.sum(oh_b.astype(jnp.float32) * (pad_off + rank),
                     axis=1, keepdims=True)
    dest_ref[...] = dest_f.astype(jnp.int32)

    n_tiles = jnp.sum(tiles)
    ii = lax.broadcasted_iota(jnp.int32, (MAX_TILES, E), 0)
    ts_i = tile_start.astype(jnp.int32)
    t2e = jnp.sum((ts_i <= ii).astype(jnp.int32), axis=1, keepdims=True) - 1
    t2e_ref[...] = jnp.clip(t2e, 0, E - 1)
    row = lax.broadcasted_iota(jnp.int32, (MAX_TILES, 1), 0)
    act_ref[...] = (row < n_tiles).astype(jnp.int32)


def _route(hs, router_W):
    return pl.pallas_call(
        _route_body,
        out_shape=(
            jax.ShapeDtypeStruct((S, 1), jnp.int32),
            jax.ShapeDtypeStruct((S, D_ROW), jnp.float32),
            jax.ShapeDtypeStruct((MAX_TILES, 1), jnp.int32),
            jax.ShapeDtypeStruct((MAX_TILES, 1), jnp.int32),
        ),
    )(hs, router_W)


_NC, _NS = 2, 16
_NW = _NC * _NS
_TOK_W = S // _NW


@functools.cache
def _sc_kernels():
    mesh = plsc.VectorSubcoreMesh(core_axis_name="c", subcore_axis_name="s")

    @functools.partial(
        pl.kernel,
        mesh=mesh,
        out_type=jax.ShapeDtypeStruct((NXT, D_ROW), jnp.float32),
        scratch_types=[
            pltpu.VMEM((_TOK_W,), jnp.int32),
            pltpu.VMEM((_TOK_W, D_ROW), jnp.float32),
            pltpu.SemaphoreType.DMA,
        ],
    )
    def scatter_rows(hs_hbm, dest_hbm, out_hbm, idx_v, rows_v, sem):
        wid = lax.axis_index("s") * _NC + lax.axis_index("c")
        base = wid * _TOK_W
        pltpu.sync_copy(dest_hbm.at[pl.ds(base, _TOK_W)], idx_v)
        pltpu.sync_copy(hs_hbm.at[pl.ds(base, _TOK_W)], rows_v)
        pltpu.async_copy(rows_v, out_hbm.at[idx_v], sem).wait()

    @functools.partial(
        pl.kernel,
        mesh=mesh,
        out_type=jax.ShapeDtypeStruct((S, D_MODEL), jnp.float32),
        scratch_types=[
            pltpu.VMEM((_TOK_W,), jnp.int32),
            pltpu.VMEM((_TOK_W, D_MODEL), jnp.float32),
            pltpu.SemaphoreType.DMA,
        ],
    )
    def gather_rows(y_hbm, dest_hbm, out_hbm, idx_v, rows_v, sem):
        wid = lax.axis_index("s") * _NC + lax.axis_index("c")
        base = wid * _TOK_W
        pltpu.sync_copy(dest_hbm.at[pl.ds(base, _TOK_W)], idx_v)
        pltpu.async_copy(y_hbm.at[idx_v], rows_v, sem).wait()
        pltpu.sync_copy(rows_v, out_hbm.at[pl.ds(base, _TOK_W)])

    return scatter_rows, gather_rows


def _ffn_body(t2e_ref, act_ref, x_ref, gw_ref, uw_ref, dw_ref, o_ref):
    i = pl.program_id(0)

    @pl.when(act_ref[i] == 1)
    def _():
        xw = x_ref[...]
        x = xw[:, :D_MODEL]
        w_col = xw[:, D_MODEL:D_MODEL + 1]
        g = lax.dot_general(x, gw_ref[0], (((1,), (1,)), ((), ())),
                            preferred_element_type=jnp.float32)
        u = lax.dot_general(x, uw_ref[0], (((1,), (1,)), ((), ())),
                            preferred_element_type=jnp.float32)
        h = g * jax.nn.sigmoid(g) * u
        y = lax.dot_general(h, dw_ref[0], (((1,), (1,)), ((), ())),
                            preferred_element_type=jnp.float32)
        o_ref[...] = y * w_col


def _ffn(t2e, act, sorted_x, gate_W, up_W, down_W):
    def _tile_or_spare(i, act):
        return jnp.where(act[i] == 1, i, MAX_TILES)

    grid_spec = pltpu.PrefetchScalarGridSpec(
        num_scalar_prefetch=2,
        grid=(MAX_TILES,),
        in_specs=[
            pl.BlockSpec((T_TILE, D_ROW),
                         lambda i, t2e, act: (_tile_or_spare(i, act), 0)),
            pl.BlockSpec((1, INTER, D_MODEL), lambda i, t2e, act: (t2e[i], 0, 0)),
            pl.BlockSpec((1, INTER, D_MODEL), lambda i, t2e, act: (t2e[i], 0, 0)),
            pl.BlockSpec((1, D_MODEL, INTER), lambda i, t2e, act: (t2e[i], 0, 0)),
        ],
        out_specs=pl.BlockSpec((T_TILE, D_MODEL),
                               lambda i, t2e, act: (_tile_or_spare(i, act), 0)),
    )
    return pl.pallas_call(
        _ffn_body,
        grid_spec=grid_spec,
        out_shape=jax.ShapeDtypeStruct((NXT, D_MODEL), jnp.float32),
    )(t2e, act, sorted_x, gate_W, up_W, down_W)


def kernel(hidden_states, router_W, gate_W, up_W, down_W):
    b, s, d = hidden_states.shape
    hs = hidden_states.reshape(s, d)
    dest2, hsw, t2e2, act2 = _route(hs, router_W)
    dest = dest2.reshape(s)
    t2e = t2e2.reshape(MAX_TILES)
    act = act2.reshape(MAX_TILES)
    scatter_rows, gather_rows = _sc_kernels()
    sorted_x = scatter_rows(hsw, dest)
    sorted_y = _ffn(t2e, act, sorted_x, gate_W, up_W, down_W)
    out = gather_rows(sorted_y, dest)
    return out.reshape(b, s, d)

# --- scband reference (transcript-rebuilt; emitter-appended) ---
"""Pipeline reference for scband-caduceus-sparse-moe-block-49486613184659 (READ-ONLY COPY).

The authoritative reference and input builder live on the scoring server;
editing this copy changes nothing except your own understanding.
"""

import jax, jax.numpy as jnp
import numpy as np

B = 1
S = 2048
D_MODEL = 768
INTER = 1024
E = 64
TOP_K = 1


def setup_inputs(seed: int = 0) -> dict:
    key = jax.random.key(seed)
    ks = jax.random.split(key, 5)
    hidden_states = jax.random.normal(ks[0], (B, S, D_MODEL), dtype=jnp.float32)
    router_W = jax.random.normal(ks[1], (E, D_MODEL), dtype=jnp.float32) * (1.0 / np.sqrt(D_MODEL))
    gate_W = jax.random.normal(ks[2], (E, INTER, D_MODEL), dtype=jnp.float32) * 0.02
    up_W = jax.random.normal(ks[3], (E, INTER, D_MODEL), dtype=jnp.float32) * 0.02
    down_W = jax.random.normal(ks[4], (E, D_MODEL, INTER), dtype=jnp.float32) * 0.02
    return {"hidden_states": hidden_states, "router_W": router_W, "gate_W": gate_W, "up_W": up_W, "down_W": down_W}


def reference(hidden_states, router_W, gate_W, up_W, down_W):
    batch_size, sequence_length, hidden_dim = hidden_states.shape
    hs = hidden_states.reshape(-1, hidden_dim)
    router_logits = hs @ router_W.T
    routing_weights = jax.nn.softmax(router_logits.astype(jnp.float32), axis=1)
    routing_weights, selected_experts = jax.lax.top_k(routing_weights, TOP_K)
    routing_weights = routing_weights.astype(hs.dtype)
    final_hidden_states = jnp.zeros((batch_size * sequence_length, hidden_dim), dtype=hs.dtype)
    # expert_mask[e, k, t] = 1 iff selected_experts[t, k] == e
    expert_mask = jnp.transpose(jax.nn.one_hot(selected_experts, E, dtype=jnp.int32), (2, 1, 0))

    def body(carry, xs):
        mask_e, gW, uW, dW = xs
        token_w = jnp.sum(mask_e.astype(hs.dtype) * routing_weights.T, axis=0)
        g = hs @ gW.T
        u = hs @ uW.T
        current_hidden_states = (jax.nn.silu(g) * u) @ dW.T
        current_hidden_states = current_hidden_states * token_w[:, None]
        return carry + current_hidden_states.astype(hs.dtype), None

    final_hidden_states, _ = jax.lax.scan(body, final_hidden_states, (expert_mask, gate_W, up_W, down_W))
    return final_hidden_states.reshape(batch_size, sequence_length, hidden_dim)

if __name__ == "__main__":
    import jax
    _d = setup_inputs()
    print(jax.jit(kernel)(*tuple(_d.values())))

</pallas_src>

<mosaic_0001>
#map = affine_map<(d0, d1) -> (0, 0)>
#map1 = affine_map<(d0, d1) -> (0)>
module attributes {stable_mosaic.version = 14 : i64} {
  func.func @scatter_rows(%arg0: i32, %arg1: i32, %arg2: memref<2048x896xf32, #tpu.memory_space<hbm>>, %arg3: memref<2048xi32, #tpu.memory_space<hbm>>, %arg4: memref<6208x896xf32, #tpu.memory_space<hbm>>, %arg5: memref<64xi32, #tpu.memory_space<vmem>>, %arg6: memref<64x896xf32, #tpu.memory_space<vmem>>, %arg7: memref<!tpu.dma_semaphore, #tpu.memory_space<semaphore_mem>>) attributes {dimension_semantics = [#tpu.dimension_semantics<core_parallel>, #tpu.dimension_semantics<subcore_parallel>], iteration_bounds = array<i64: 2, 16>, scalar_prefetch = 0 : i64, scratch_operands = 3 : i64, tpu.core_type = #tpu.core_type<sc_vector_subcore>, window_params = [{transform_indices = #map}, {transform_indices = #map1}, {transform_indices = #map}]} {
    %mul3A = arith.constant 2 : i32
    %mul3A_0 = arith.muli %arg1, %mul3A : i32
    %add3A = arith.addi %mul3A_0, %arg0 : i32
    %mul3A_1 = arith.constant 64 : i32
    %mul3A_2 = arith.muli %add3A, %mul3A_1 : i32
    "tpu.region"() ({
      %run_scoped3A = tpu.sem_alloc : memref<!tpu.dma_semaphore, #tpu.memory_space<semaphore_mem>>
      %dma_start3A_7 = tpu.memref_slice %arg3[%mul3A_2] : memref<2048xi32, #tpu.memory_space<hbm>> -> memref<64xi32, #tpu.memory_space<hbm>>
      %dma_start3A_8 = tpu.memref_slice %arg3[%mul3A_2] : memref<2048xi32, #tpu.memory_space<hbm>> -> memref<64xi32, #tpu.memory_space<hbm>>
      tpu.enqueue_dma source(%dma_start3A_8 : memref<64xi32, #tpu.memory_space<hbm>>) target(%arg5 : memref<64xi32, #tpu.memory_space<vmem>>) target_semaphore(%run_scoped3A : memref<!tpu.dma_semaphore, #tpu.memory_space<semaphore_mem>>)
      %dma_wait3A_9 = tpu.memref_slice %arg3[%mul3A_2] : memref<2048xi32, #tpu.memory_space<hbm>> -> memref<64xi32, #tpu.memory_space<hbm>>
      %dma_wait3A_10 = tpu.memref_slice %arg3[%mul3A_2] : memref<2048xi32, #tpu.memory_space<hbm>> -> memref<64xi32, #tpu.memory_space<hbm>>
      tpu.wait_dma2 semaphore(%run_scoped3A : memref<!tpu.dma_semaphore, #tpu.memory_space<semaphore_mem>>) src(%dma_wait3A_10 : memref<64xi32, #tpu.memory_space<hbm>>) dst(%arg5 : memref<64xi32, #tpu.memory_space<vmem>>)
      tpu.yield
    }) : () -> ()
    "tpu.region"() ({
      %run_scoped3A = tpu.sem_alloc : memref<!tpu.dma_semaphore, #tpu.memory_space<semaphore_mem>>
      %dma_start3A_7 = arith.constant 0 : i32
      %dma_start3A_8 = tpu.memref_slice %arg2[%mul3A_2, %dma_start3A_7] : memref<2048x896xf32, #tpu.memory_space<hbm>> -> memref<64x896xf32, #tpu.memory_space<hbm>>
      %dma_start3A_9 = arith.constant 0 : i32
      %dma_start3A_10 = tpu.memref_slice %arg2[%mul3A_2, %dma_start3A_9] : memref<2048x896xf32, #tpu.memory_space<hbm>> -> memref<64x896xf32, #tpu.memory_space<hbm>>
      tpu.enqueue_dma source(%dma_start3A_10 : memref<64x896xf32, #tpu.memory_space<hbm>>) target(%arg6 : memref<64x896xf32, #tpu.memory_space<vmem>>) target_semaphore(%run_scoped3A : memref<!tpu.dma_semaphore, #tpu.memory_space<semaphore_mem>>)
      %dma_wait3A_11 = arith.constant 0 : i32
      %dma_wait3A_12 = tpu.memref_slice %arg2[%mul3A_2, %dma_wait3A_11] : memref<2048x896xf32, #tpu.memory_space<hbm>> -> memref<64x896xf32, #tpu.memory_space<hbm>>
      %dma_wait3A_13 = arith.constant 0 : i32
      %dma_wait3A_14 = tpu.memref_slice %arg2[%mul3A_2, %dma_wait3A_13] : memref<2048x896xf32, #tpu.memory_space<hbm>> -> memref<64x896xf32, #tpu.memory_space<hbm>>
      tpu.wait_dma2 semaphore(%run_scoped3A : memref<!tpu.dma_semaphore, #tpu.memory_space<semaphore_mem>>) src(%dma_wait3A_14 : memref<64x896xf32, #tpu.memory_space<hbm>>) dst(%arg6 : memref<64x896xf32, #tpu.memory_space<vmem>>)
      tpu.yield
    }) : () -> ()
    %dma_start3A = arith.constant 0 : i32
    %dma_start3A_3 = arith.constant 0 : i32
    %dma_start3A_4 = tpu.memref_slice %arg4[%dma_start3A, %dma_start3A_3] : memref<6208x896xf32, #tpu.memory_space<hbm>> -> memref<6208x896xf32, #tpu.memory_space<hbm>>
    tpu.enqueue_indirect_dma source(%arg6 : memref<64x896xf32, #tpu.memory_space<vmem>>) target(%dma_start3A_4 : memref<6208x896xf32, #tpu.memory_space<hbm>>) offsets(%arg5 : memref<64xi32, #tpu.memory_space<vmem>>) semaphore(%arg7 : memref<!tpu.dma_semaphore, #tpu.memory_space<semaphore_mem>>)
    %dma_wait3A = arith.constant 0 : i32
    %dma_wait3A_5 = arith.constant 0 : i32
    %dma_wait3A_6 = tpu.memref_slice %arg4[%dma_wait3A, %dma_wait3A_5] : memref<6208x896xf32, #tpu.memory_space<hbm>> -> memref<6208x896xf32, #tpu.memory_space<hbm>>
    tpu.wait_indirect_dma semaphore(%arg7 : memref<!tpu.dma_semaphore, #tpu.memory_space<semaphore_mem>>) src(%arg6 : memref<64x896xf32, #tpu.memory_space<vmem>>) dst(%dma_wait3A_6 : memref<6208x896xf32, #tpu.memory_space<hbm>>)
    return
  }
}

#map = affine_map<(d0, d1) -> (0, 0)>
#map1 = affine_map<(d0, d1) -> (0)>
module attributes {stable_mosaic.version = 14 : i64} {
  func.func @gather_rows(%arg0: i32, %arg1: i32, %arg2: memref<6208x768xf32, #tpu.memory_space<hbm>>, %arg3: memref<2048xi32, #tpu.memory_space<hbm>>, %arg4: memref<2048x768xf32, #tpu.memory_space<hbm>>, %arg5: memref<64xi32, #tpu.memory_space<vmem>>, %arg6: memref<64x768xf32, #tpu.memory_space<vmem>>, %arg7: memref<!tpu.dma_semaphore, #tpu.memory_space<semaphore_mem>>) attributes {dimension_semantics = [#tpu.dimension_semantics<core_parallel>, #tpu.dimension_semantics<subcore_parallel>], iteration_bounds = array<i64: 2, 16>, scalar_prefetch = 0 : i64, scratch_operands = 3 : i64, tpu.core_type = #tpu.core_type<sc_vector_subcore>, window_params = [{transform_indices = #map}, {transform_indices = #map1}, {transform_indices = #map}]} {
    %mul3A = arith.constant 2 : i32
    %mul3A_0 = arith.muli %arg1, %mul3A : i32
    %add3A = arith.addi %mul3A_0, %arg0 : i32
    %mul3A_1 = arith.constant 64 : i32
    %mul3A_2 = arith.muli %add3A, %mul3A_1 : i32
    "tpu.region"() ({
      %run_scoped3A = tpu.sem_alloc : memref<!tpu.dma_semaphore, #tpu.memory_space<semaphore_mem>>
      %dma_start3A_7 = tpu.memref_slice %arg3[%mul3A_2] : memref<2048xi32, #tpu.memory_space<hbm>> -> memref<64xi32, #tpu.memory_space<hbm>>
      %dma_start3A_8 = tpu.memref_slice %arg3[%mul3A_2] : memref<2048xi32, #tpu.memory_space<hbm>> -> memref<64xi32, #tpu.memory_space<hbm>>
      tpu.enqueue_dma source(%dma_start3A_8 : memref<64xi32, #tpu.memory_space<hbm>>) target(%arg5 : memref<64xi32, #tpu.memory_space<vmem>>) target_semaphore(%run_scoped3A : memref<!tpu.dma_semaphore, #tpu.memory_space<semaphore_mem>>)
      %dma_wait3A_9 = tpu.memref_slice %arg3[%mul3A_2] : memref<2048xi32, #tpu.memory_space<hbm>> -> memref<64xi32, #tpu.memory_space<hbm>>
      %dma_wait3A_10 = tpu.memref_slice %arg3[%mul3A_2] : memref<2048xi32, #tpu.memory_space<hbm>> -> memref<64xi32, #tpu.memory_space<hbm>>
      tpu.wait_dma2 semaphore(%run_scoped3A : memref<!tpu.dma_semaphore, #tpu.memory_space<semaphore_mem>>) src(%dma_wait3A_10 : memref<64xi32, #tpu.memory_space<hbm>>) dst(%arg5 : memref<64xi32, #tpu.memory_space<vmem>>)
      tpu.yield
    }) : () -> ()
    %dma_start3A = arith.constant 0 : i32
    %dma_start3A_3 = arith.constant 0 : i32
    %dma_start3A_4 = tpu.memref_slice %arg2[%dma_start3A, %dma_start3A_3] : memref<6208x768xf32, #tpu.memory_space<hbm>> -> memref<6208x768xf32, #tpu.memory_space<hbm>>
    tpu.enqueue_indirect_dma source(%dma_start3A_4 : memref<6208x768xf32, #tpu.memory_space<hbm>>) target(%arg6 : memref<64x768xf32, #tpu.memory_space<vmem>>) offsets(%arg5 : memref<64xi32, #tpu.memory_space<vmem>>) semaphore(%arg7 : memref<!tpu.dma_semaphore, #tpu.memory_space<semaphore_mem>>)
    %dma_wait3A = arith.constant 0 : i32
    %dma_wait3A_5 = arith.constant 0 : i32
    %dma_wait3A_6 = tpu.memref_slice %arg2[%dma_wait3A, %dma_wait3A_5] : memref<6208x768xf32, #tpu.memory_space<hbm>> -> memref<6208x768xf32, #tpu.memory_space<hbm>>
    tpu.wait_indirect_dma semaphore(%arg7 : memref<!tpu.dma_semaphore, #tpu.memory_space<semaphore_mem>>) src(%dma_wait3A_6 : memref<6208x768xf32, #tpu.memory_space<hbm>>) dst(%arg6 : memref<64x768xf32, #tpu.memory_space<vmem>>)
    "tpu.region"() ({
      %run_scoped3A = tpu.sem_alloc : memref<!tpu.dma_semaphore, #tpu.memory_space<semaphore_mem>>
      %dma_start3A_7 = arith.constant 0 : i32
      %dma_start3A_8 = tpu.memref_slice %arg4[%mul3A_2, %dma_start3A_7] : memref<2048x768xf32, #tpu.memory_space<hbm>> -> memref<64x768xf32, #tpu.memory_space<hbm>>
      %dma_start3A_9 = arith.constant 0 : i32
      %dma_start3A_10 = tpu.memref_slice %arg4[%mul3A_2, %dma_start3A_9] : memref<2048x768xf32, #tpu.memory_space<hbm>> -> memref<64x768xf32, #tpu.memory_space<hbm>>
      tpu.enqueue_dma source(%arg6 : memref<64x768xf32, #tpu.memory_space<vmem>>) target(%dma_start3A_10 : memref<64x768xf32, #tpu.memory_space<hbm>>) target_semaphore(%run_scoped3A : memref<!tpu.dma_semaphore, #tpu.memory_space<semaphore_mem>>)
      %dma_wait3A_11 = arith.constant 0 : i32
      %dma_wait3A_12 = tpu.memref_slice %arg4[%mul3A_2, %dma_wait3A_11] : memref<2048x768xf32, #tpu.memory_space<hbm>> -> memref<64x768xf32, #tpu.memory_space<hbm>>
      %dma_wait3A_13 = arith.constant 0 : i32
      %dma_wait3A_14 = tpu.memref_slice %arg4[%mul3A_2, %dma_wait3A_13] : memref<2048x768xf32, #tpu.memory_space<hbm>> -> memref<64x768xf32, #tpu.memory_space<hbm>>
      tpu.wait_dma2 semaphore(%run_scoped3A : memref<!tpu.dma_semaphore, #tpu.memory_space<semaphore_mem>>) src(%arg6 : memref<64x768xf32, #tpu.memory_space<vmem>>) dst(%dma_wait3A_14 : memref<64x768xf32, #tpu.memory_space<hbm>>)
      tpu.yield
    }) : () -> ()
    return
  }
}

module attributes {stable_mosaic.version = 14 : i64} {
  func.func @_route_body(%arg0: memref<2048x768xf32, #tpu.memory_space<vmem>>, %arg1: memref<64x768xf32, #tpu.memory_space<vmem>>, %arg2: memref<2048x1xi32, #tpu.memory_space<vmem>>, %arg3: memref<2048x896xf32, #tpu.memory_space<vmem>>, %arg4: memref<96x1xi32, #tpu.memory_space<vmem>>, %arg5: memref<96x1xi32, #tpu.memory_space<vmem>>) attributes {dimension_semantics = [], scalar_prefetch = 0 : i64, scratch_operands = 0 : i64, tpu.core_type = #tpu.core_type<tc>} {
    %get3A = arith.constant 0 : index
    %get3A_0 = arith.constant 0 : index
    %get3A_1 = vector.load %arg0[%get3A, %get3A_0] : memref<2048x768xf32, #tpu.memory_space<vmem>>, vector<2048x768xf32>
    %get3A_2 = arith.constant 0 : index
    %get3A_3 = arith.constant 0 : index
    %get3A_4 = vector.load %arg1[%get3A_2, %get3A_3] : memref<64x768xf32, #tpu.memory_space<vmem>>, vector<64x768xf32>
    %dot_general3A = arith.constant dense<0.000000e+00> : vector<2048x64xf32>
    %dot_general3A_5 = tpu.matmul %get3A_1, %get3A_4, %dot_general3A {dimension_numbers = #tpu.dot_dimension_numbers<[1], [1], [0], [0], [0, 0, 1, 0], [], []>, transpose_lhs_hint = false} : vector<2048x768xf32>, vector<64x768xf32>, vector<2048x64xf32> -> vector<2048x64xf32>
    %reduce_max3A = arith.constant dense<0xFF800000> : vector<2048xf32>
    %reduce_max3A_6 = vector.multi_reduction <maximumf>, %dot_general3A_5, %reduce_max3A [1] : vector<2048x64xf32> to vector<2048xf32>
    %broadcast_in_dim3A = vector.shape_cast %reduce_max3A_6 : vector<2048xf32> to vector<2048x1xf32>
    %sub3A = vector.broadcast %broadcast_in_dim3A : vector<2048x1xf32> to vector<2048x64xf32>
    %sub3A_7 = arith.subf %dot_general3A_5, %sub3A : vector<2048x64xf32>
    %exp3A = math.exp %sub3A_7 : vector<2048x64xf32>
    %reduce_sum3A = arith.constant dense<0.000000e+00> : vector<2048xf32>
    %reduce_sum3A_8 = vector.multi_reduction <add>, %exp3A, %reduce_sum3A [1] : vector<2048x64xf32> to vector<2048xf32>
    %broadcast_in_dim3A_9 = vector.shape_cast %reduce_sum3A_8 : vector<2048xf32> to vector<2048x1xf32>
    %div3A = arith.constant 1.000000e+00 : f32
    %div3A_10 = vector.broadcast %div3A : f32 to vector<2048x1xf32>
    %div3A_11 = arith.divf %div3A_10, %broadcast_in_dim3A_9 : vector<2048x1xf32>
    %broadcast_in_dim3A_12 = vector.shape_cast %div3A_11 : vector<2048x1xf32> to vector<2048x1xf32>
    %broadcast_in_dim3A_13 = vector.broadcast %broadcast_in_dim3A_12 : vector<2048x1xf32> to vector<2048x128xf32>
    %concatenate3A = tpu.concatenate %get3A_1, %broadcast_in_dim3A_13 in 1 : vector<2048x768xf32>, vector<2048x128xf32> -> vector<2048x896xf32>
    %swap3A = arith.constant 0 : index
    %swap3A_14 = arith.constant 0 : index
    %swap3A_15 = vector.load %arg3[%swap3A, %swap3A_14] : memref<2048x896xf32, #tpu.memory_space<vmem>>, vector<2048x896xf32>
    tpu.vector_store %arg3[%swap3A, %swap3A_14], %concatenate3A {strides = array<i32>} : memref<2048x896xf32, #tpu.memory_space<vmem>>, vector<2048x896xf32>,
    %iota3A = tpu.iota {dimensions = array<i32: 1>} : vector<2048x64xi32>
    %eq3A = vector.broadcast %broadcast_in_dim3A : vector<2048x1xf32> to vector<2048x64xf32>
    %eq3A_16 = arith.cmpf oeq, %dot_general3A_5, %eq3A : vector<2048x64xf32>
    %jit3A = arith.constant 64 : i32
    %broadcast_in_dim3A_17 = vector.broadcast %jit3A : i32 to vector<2048x64xi32>
    %select_n3A = arith.select %eq3A_16, %iota3A, %broadcast_in_dim3A_17 : vector<2048x64xi1>, vector<2048x64xi32>
    %reduce_min3A = arith.constant dense<2147483647> : vector<2048xi32>
    %reduce_min3A_18 = vector.multi_reduction <minsi>, %select_n3A, %reduce_min3A [1] : vector<2048x64xi32> to vector<2048xi32>
    %broadcast_in_dim3A_19 = vector.shape_cast %reduce_min3A_18 : vector<2048xi32> to vector<2048x1xi32>
    %eq3A_20 = vector.broadcast %broadcast_in_dim3A_19 : vector<2048x1xi32> to vector<2048x64xi32>
    %eq3A_21 = arith.cmpi eq, %iota3A, %eq3A_20 : vector<2048x64xi32>
    %convert_element_type3A = arith.extui %eq3A_21 : vector<2048x64xi1> to vector<2048x64xi32>
    %convert_element_type3A_22 = arith.sitofp %convert_element_type3A : vector<2048x64xi32> to vector<2048x64xf32>
    %convert_element_type3A_23 = arith.truncf %convert_element_type3A_22 : vector<2048x64xf32> to vector<2048x64xbf16>
    %iota3A_24 = tpu.iota {dimensions = array<i32: 0>} : vector<2048x2048xi32>
    %iota3A_25 = tpu.iota {dimensions = array<i32: 1>} : vector<2048x2048xi32>
    %lt3A = arith.cmpi slt, %iota3A_25, %iota3A_24 : vector<2048x2048xi32>
    %convert_element_type3A_26 = arith.extui %lt3A : vector<2048x2048xi1> to vector<2048x2048xi32>
    %convert_element_type3A_27 = arith.sitofp %convert_element_type3A_26 : vector<2048x2048xi32> to vector<2048x2048xf32>
    %convert_element_type3A_28 = arith.truncf %convert_element_type3A_27 : vector<2048x2048xf32> to vector<2048x2048xbf16>
    %dot_general3A_29 = arith.constant dense<0.000000e+00> : vector<2048x64xf32>
    %dot_general3A_30 = tpu.matmul %convert_element_type3A_28, %convert_element_type3A_23, %dot_general3A_29 {dimension_numbers = #tpu.dot_dimension_numbers<[1], [0], [0], [1], [0, 0, 1, 1], [], []>, transpose_lhs_hint = false} : vector<2048x2048xbf16>, vector<2048x64xbf16>, vector<2048x64xf32> -> vector<2048x64xf32>
    %convert_element_type3A_31 = arith.extui %eq3A_21 : vector<2048x64xi1> to vector<2048x64xi32>
    %reduce_sum3A_32 = arith.constant dense<0> : vector<64xi32>
    %reduce_sum3A_33 = vector.multi_reduction <add>, %convert_element_type3A_31, %reduce_sum3A_32 [0] : vector<2048x64xi32> to vector<64xi32>
    %broadcast_in_dim3A_34 = vector.shape_cast %reduce_sum3A_33 : vector<64xi32> to vector<1x64xi32>
    %add3A = arith.constant 63 : i32
    %add3A_35 = vector.broadcast %add3A : i32 to vector<1x64xi32>
    %add3A_36 = arith.addi %broadcast_in_dim3A_34, %add3A_35 : vector<1x64xi32>
    %jit3A_37 = arith.constant 64 : i32
    %div3A_38 = vector.broadcast %jit3A_37 : i32 to vector<1x64xi32>
    %div3A_39 = arith.divsi %add3A_36, %div3A_38 : vector<1x64xi32>
    %sign3A = arith.constant 0 : i32
    %sign3A_40 = vector.broadcast %sign3A : i32 to vector<1x64xi32>
    %sign3A_41 = arith.cmpi sgt, %add3A_36, %sign3A_40 : vector<1x64xi32>
    %sign3A_42 = arith.extui %sign3A_41 : vector<1x64xi1> to vector<1x64xi32>
    %sign3A_43 = arith.constant 0 : i32
    %sign3A_44 = vector.broadcast %sign3A_43 : i32 to vector<1x64xi32>
    %sign3A_45 = arith.cmpi slt, %add3A_36, %sign3A_44 : vector<1x64xi32>
    %sign3A_46 = arith.extui %sign3A_45 : vector<1x64xi1> to vector<1x64xi32>
    %sign3A_47 = arith.subi %sign3A_42, %sign3A_46 : vector<1x64xi32>
    %sign3A_48 = arith.constant 0 : i32
    %sign3A_49 = arith.cmpi sgt, %jit3A_37, %sign3A_48 : i32
    %sign3A_50 = arith.extui %sign3A_49 : i1 to i32
    %sign3A_51 = arith.constant 0 : i32
    %sign3A_52 = arith.cmpi slt, %jit3A_37, %sign3A_51 : i32
    %sign3A_53 = arith.extui %sign3A_52 : i1 to i32
    %sign3A_54 = arith.subi %sign3A_50, %sign3A_53 : i32
    %ne3A = vector.broadcast %sign3A_54 : i32 to vector<1x64xi32>
    %ne3A_55 = arith.cmpi ne, %sign3A_47, %ne3A : vector<1x64xi32>
    %rem3A = vector.broadcast %jit3A_37 : i32 to vector<1x64xi32>
    %rem3A_56 = arith.remsi %add3A_36, %rem3A : vector<1x64xi32>
    %ne3A_57 = arith.constant 0 : i32
    %ne3A_58 = vector.broadcast %ne3A_57 : i32 to vector<1x64xi32>
    %ne3A_59 = arith.cmpi ne, %rem3A_56, %ne3A_58 : vector<1x64xi32>
    %and3A = arith.andi %ne3A_55, %ne3A_59 : vector<1x64xi1>
    %sub3A_60 = arith.constant 1 : i32
    %sub3A_61 = vector.broadcast %sub3A_60 : i32 to vector<1x64xi32>
    %sub3A_62 = arith.subi %div3A_39, %sub3A_61 : vector<1x64xi32>
    %select_n3A_63 = arith.select %and3A, %sub3A_62, %div3A_39 : vector<1x64xi1>, vector<1x64xi32>
    %iota3A_64 = tpu.iota {dimensions = array<i32: 0>} : vector<64x64xi32>
    %iota3A_65 = tpu.iota {dimensions = array<i32: 1>} : vector<64x64xi32>
    %lt3A_66 = arith.cmpi slt, %iota3A_64, %iota3A_65 : vector<64x64xi32>
    %convert_element_type3A_67 = arith.extui %lt3A_66 : vector<64x64xi1> to vector<64x64xi32>
    %convert_element_type3A_68 = arith.sitofp %convert_element_type3A_67 : vector<64x64xi32> to vector<64x64xf32>
    %convert_element_type3A_69 = arith.sitofp %select_n3A_63 : vector<1x64xi32> to vector<1x64xf32>
    %dot_general3A_70 = arith.constant dense<0.000000e+00> : vector<1x64xf32>
    %dot_general3A_71 = tpu.matmul %convert_element_type3A_69, %convert_element_type3A_68, %dot_general3A_70 {dimension_numbers = #tpu.dot_dimension_numbers<[1], [0], [0], [1], [0, 0, 1, 1], [], []>, transpose_lhs_hint = false} : vector<1x64xf32>, vector<64x64xf32>, vector<1x64xf32> -> vector<1x64xf32>
    %mul3A = arith.constant 6.400000e+01 : f32
    %mul3A_72 = vector.broadcast %mul3A : f32 to vector<1x64xf32>
    %mul3A_73 = arith.mulf %dot_general3A_71, %mul3A_72 : vector<1x64xf32>
    %convert_element_type3A_74 = arith.extf %convert_element_type3A_23 : vector<2048x64xbf16> to vector<2048x64xf32>
    %add3A_75 = vector.broadcast %mul3A_73 : vector<1x64xf32> to vector<2048x64xf32>
    %add3A_76 = arith.addf %add3A_75, %dot_general3A_30 : vector<2048x64xf32>
    %mul3A_77 = arith.mulf %convert_element_type3A_74, %add3A_76 : vector<2048x64xf32>
    %reduce_sum3A_78 = arith.constant dense<0.000000e+00> : vector<2048xf32>
    %reduce_sum3A_79 = vector.multi_reduction <add>, %mul3A_77, %reduce_sum3A_78 [1] : vector<2048x64xf32> to vector<2048xf32>
    %broadcast_in_dim3A_80 = vector.shape_cast %reduce_sum3A_79 : vector<2048xf32> to vector<2048x1xf32>
    %convert_element_type3A_81 = arith.fptosi %broadcast_in_dim3A_80 : vector<2048x1xf32> to vector<2048x1xi32>
    %swap3A_82 = arith.constant 0 : index
    %swap3A_83 = arith.constant 0 : index
    %swap3A_84 = vector.load %arg2[%swap3A_82, %swap3A_83] : memref<2048x1xi32, #tpu.memory_space<vmem>>, vector<2048x1xi32>
    tpu.vector_store %arg2[%swap3A_82, %swap3A_83], %convert_element_type3A_81 {strides = array<i32>} : memref<2048x1xi32, #tpu.memory_space<vmem>>, vector<2048x1xi32>,
    %reduce_sum3A_85 = vector.shape_cast %select_n3A_63 : vector<1x64xi32> to vector<1x1x64xi32>
    %reduce_sum3A_86 = arith.constant dense<0> : vector<1xi32>
    %reduce_sum3A_87 = vector.multi_reduction <add>, %reduce_sum3A_85, %reduce_sum3A_86 [1, 2] : vector<1x1x64xi32> to vector<1xi32>
    %reduce_sum3A_88 = vector.shape_cast %reduce_sum3A_87 : vector<1xi32> to vector<1x1x1xi32>
    %reduce_sum3A_89 = vector.extract %reduce_sum3A_88[0, 0, 0] : i32 from vector<1x1x1xi32>
    %iota3A_90 = tpu.iota {dimensions = array<i32: 0>} : vector<96x64xi32>
    %convert_element_type3A_91 = arith.fptosi %dot_general3A_71 : vector<1x64xf32> to vector<1x64xi32>
    %le3A = vector.broadcast %convert_element_type3A_91 : vector<1x64xi32> to vector<96x64xi32>
    %le3A_92 = arith.cmpi sle, %le3A, %iota3A_90 : vector<96x64xi32>
    %convert_element_type3A_93 = arith.extui %le3A_92 : vector<96x64xi1> to vector<96x64xi32>
    %reduce_sum3A_94 = arith.constant dense<0> : vector<96xi32>
    %reduce_sum3A_95 = vector.multi_reduction <add>, %convert_element_type3A_93, %reduce_sum3A_94 [1] : vector<96x64xi32> to vector<96xi32>
    %broadcast_in_dim3A_96 = vector.shape_cast %reduce_sum3A_95 : vector<96xi32> to vector<96x1xi32>
    %sub3A_97 = arith.constant 1 : i32
    %sub3A_98 = vector.broadcast %sub3A_97 : i32 to vector<96x1xi32>
    %sub3A_99 = arith.subi %broadcast_in_dim3A_96, %sub3A_98 : vector<96x1xi32>
    %jit3A_100 = arith.constant 0 : i32
    %jit3A_101 = arith.constant 63 : i32
    %max3A = vector.broadcast %jit3A_100 : i32 to vector<96x1xi32>
    %max3A_102 = arith.maxsi %max3A, %sub3A_99 : vector<96x1xi32>
    %min3A = vector.broadcast %jit3A_101 : i32 to vector<96x1xi32>
    %min3A_103 = arith.minsi %min3A, %max3A_102 : vector<96x1xi32>
    %swap3A_104 = arith.constant 0 : index
    %swap3A_105 = arith.constant 0 : index
    %swap3A_106 = vector.load %arg4[%swap3A_104, %swap3A_105] : memref<96x1xi32, #tpu.memory_space<vmem>>, vector<96x1xi32>
    tpu.vector_store %arg4[%swap3A_104, %swap3A_105], %min3A_103 {strides = array<i32>} : memref<96x1xi32, #tpu.memory_space<vmem>>, vector<96x1xi32>,
    %iota3A_107 = tpu.iota {dimensions = array<i32: 0>} : vector<96x1xi32>
    %lt3A_108 = vector.broadcast %reduce_sum3A_89 : i32 to vector<96x1xi32>
    %lt3A_109 = arith.cmpi slt, %iota3A_107, %lt3A_108 : vector<96x1xi32>
    %convert_element_type3A_110 = arith.extui %lt3A_109 : vector<96x1xi1> to vector<96x1xi32>
    %swap3A_111 = arith.constant 0 : index
    %swap3A_112 = arith.constant 0 : index
    %swap3A_113 = vector.load %arg5[%swap3A_111, %swap3A_112] : memref<96x1xi32, #tpu.memory_space<vmem>>, vector<96x1xi32>
    tpu.vector_store %arg5[%swap3A_111, %swap3A_112], %convert_element_type3A_110 {strides = array<i32>} : memref<96x1xi32, #tpu.memory_space<vmem>>, vector<96x1xi32>,
    return
  }
}

module attributes {stable_mosaic.version = 14 : i64} {
  func.func @_ffn_body(%arg0: i32, %arg1: memref<96xi32, #tpu.memory_space<smem>>, %arg2: memref<96xi32, #tpu.memory_space<smem>>, %arg3: memref<64x896xf32, #tpu.memory_space<vmem>>, %arg4: memref<1x1024x768xf32, #tpu.memory_space<vmem>>, %arg5: memref<1x1024x768xf32, #tpu.memory_space<vmem>>, %arg6: memref<1x768x1024xf32, #tpu.memory_space<vmem>>, %arg7: memref<64x768xf32, #tpu.memory_space<vmem>>) attributes {dimension_semantics = [#tpu.dimension_semantics<arbitrary>], iteration_bounds = array<i64: 96>, scalar_prefetch = 2 : i64, scratch_operands = 0 : i64, tpu.core_type = #tpu.core_type<tc>, window_params = [{transform_indices = @transform_0, window_bounds = array<i64: 64, 896>}, {transform_indices = @transform_1, window_bounds = array<i64: 1, 1024, 768>}, {transform_indices = @transform_2, window_bounds = array<i64: 1, 1024, 768>}, {transform_indices = @transform_3, window_bounds = array<i64: 1, 768, 1024>}, {transform_indices = @transform_4, window_bounds = array<i64: 64, 768>}]} {
    %get3A = arith.index_cast %arg0 : i32 to index
    %get3A_0 = memref.load %arg2[%get3A] : memref<96xi32, #tpu.memory_space<smem>>
    %eq3A = arith.constant 1 : i32
    %eq3A_1 = arith.cmpi eq, %get3A_0, %eq3A : i32
    %convert_element_type3A = arith.extui %eq3A_1 : i1 to i32
    %cond3A = arith.constant 0 : i32
    %cond3A_2 = arith.cmpi ne, %convert_element_type3A, %cond3A : i32
    scf.if %cond3A_2 {
      %get3A_3 = arith.constant 0 : index
      %get3A_4 = arith.constant 0 : index
      %get3A_5 = vector.load %arg3[%get3A_3, %get3A_4] : memref<64x896xf32, #tpu.memory_space<vmem>>, vector<64x896xf32>
      %slice3A = vector.extract_strided_slice %get3A_5 {offsets = [0, 0], sizes = [64, 768], strides = [1, 1]} : vector<64x896xf32> to vector<64x768xf32>
      %slice3A_6 = vector.extract_strided_slice %get3A_5 {offsets = [0, 768], sizes = [64, 1], strides = [1, 1]} : vector<64x896xf32> to vector<64x1xf32>
      %get3A_7 = arith.constant 0 : index
      %get3A_8 = arith.constant 0 : index
      %get3A_9 = arith.constant 0 : index
      %get3A_10 = vector.load %arg4[%get3A_7, %get3A_8, %get3A_9] : memref<1x1024x768xf32, #tpu.memory_space<vmem>>, vector<1x1024x768xf32>
      %get3A_11 = vector.shape_cast %get3A_10 : vector<1x1024x768xf32> to vector<1024x768xf32>
      %dot_general3A = arith.constant dense<0.000000e+00> : vector<64x1024xf32>
      %dot_general3A_12 = tpu.matmul %slice3A, %get3A_11, %dot_general3A {dimension_numbers = #tpu.dot_dimension_numbers<[1], [1], [0], [0], [0, 0, 1, 0], [], []>, transpose_lhs_hint = false} : vector<64x768xf32>, vector<1024x768xf32>, vector<64x1024xf32> -> vector<64x1024xf32>
      %get3A_13 = arith.constant 0 : index
      %get3A_14 = arith.constant 0 : index
      %get3A_15 = arith.constant 0 : index
      %get3A_16 = vector.load %arg5[%get3A_13, %get3A_14, %get3A_15] : memref<1x1024x768xf32, #tpu.memory_space<vmem>>, vector<1x1024x768xf32>
      %get3A_17 = vector.shape_cast %get3A_16 : vector<1x1024x768xf32> to vector<1024x768xf32>
      %dot_general3A_18 = arith.constant dense<0.000000e+00> : vector<64x1024xf32>
      %dot_general3A_19 = tpu.matmul %slice3A, %get3A_17, %dot_general3A_18 {dimension_numbers = #tpu.dot_dimension_numbers<[1], [1], [0], [0], [0, 0, 1, 0], [], []>, transpose_lhs_hint = false} : vector<64x768xf32>, vector<1024x768xf32>, vector<64x1024xf32> -> vector<64x1024xf32>
      %logistic3A = arith.negf %dot_general3A_12 : vector<64x1024xf32>
      %logistic3A_20 = math.exp %logistic3A : vector<64x1024xf32>
      %logistic3A_21 = arith.constant 1.000000e+00 : f32
      %logistic3A_22 = vector.broadcast %logistic3A_21 : f32 to vector<64x1024xf32>
      %logistic3A_23 = arith.addf %logistic3A_22, %logistic3A_20 : vector<64x1024xf32>
      %logistic3A_24 = arith.divf %logistic3A_22, %logistic3A_23 : vector<64x1024xf32>
      %mul3A = arith.mulf %dot_general3A_12, %logistic3A_24 : vector<64x1024xf32>
      %mul3A_25 = arith.mulf %mul3A, %dot_general3A_19 : vector<64x1024xf32>
      %get3A_26 = arith.constant 0 : index
      %get3A_27 = arith.constant 0 : index
      %get3A_28 = arith.constant 0 : index
      %get3A_29 = vector.load %arg6[%get3A_26, %get3A_27, %get3A_28] : memref<1x768x1024xf32, #tpu.memory_space<vmem>>, vector<1x768x1024xf32>
      %get3A_30 = vector.shape_cast %get3A_29 : vector<1x768x1024xf32> to vector<768x1024xf32>
      %dot_general3A_31 = arith.constant dense<0.000000e+00> : vector<64x768xf32>
      %dot_general3A_32 = tpu.matmul %mul3A_25, %get3A_30, %dot_general3A_31 {dimension_numbers = #tpu.dot_dimension_numbers<[1], [1], [0], [0], [0, 0, 1, 0], [], []>, transpose_lhs_hint = false} : vector<64x1024xf32>, vector<768x1024xf32>, vector<64x768xf32> -> vector<64x768xf32>
      %mul3A_33 = vector.broadcast %slice3A_6 : vector<64x1xf32> to vector<64x768xf32>
      %mul3A_34 = arith.mulf %dot_general3A_32, %mul3A_33 : vector<64x768xf32>
      %swap3A = arith.constant 0 : index
      %swap3A_35 = arith.constant 0 : index
      %swap3A_36 = vector.load %arg7[%swap3A, %swap3A_35] : memref<64x768xf32, #tpu.memory_space<vmem>>, vector<64x768xf32>
      tpu.vector_store %arg7[%swap3A, %swap3A_35], %mul3A_34 {strides = array<i32>} : memref<64x768xf32, #tpu.memory_space<vmem>>, vector<64x768xf32>,
    } else {
    }
    return
  }
  func.func @transform_0(%arg0: i32, %arg1: memref<96xi32, #tpu.memory_space<smem>>, %arg2: memref<96xi32, #tpu.memory_space<smem>>) -> (i32, i32) {
    %get3A = arith.index_cast %arg0 : i32 to index
    %get3A_0 = memref.load %arg2[%get3A] : memref<96xi32, #tpu.memory_space<smem>>
    %eq3A = arith.constant 1 : i32
    %eq3A_1 = arith.cmpi eq, %get3A_0, %eq3A : i32
    %jit3A = arith.constant 96 : i32
    %select_n3A = arith.select %eq3A_1, %arg0, %jit3A : i32
    %c0_i32 = arith.constant 0 : i32
    %c0_i32_2 = arith.constant 0 : i32
    return %select_n3A, %c0_i32 : i32, i32
  }
  func.func @transform_1(%arg0: i32, %arg1: memref<96xi32, #tpu.memory_space<smem>>, %arg2: memref<96xi32, #tpu.memory_space<smem>>) -> (i32, i32, i32) {
    %get3A = arith.index_cast %arg0 : i32 to index
    %get3A_0 = memref.load %arg1[%get3A] : memref<96xi32, #tpu.memory_space<smem>>
    %c0_i32 = arith.constant 0 : i32
    %c0_i32_1 = arith.constant 0 : i32
    %c0_i32_2 = arith.constant 0 : i32
    return %get3A_0, %c0_i32, %c0_i32_1 : i32, i32, i32
  }
  func.func @transform_2(%arg0: i32, %arg1: memref<96xi32, #tpu.memory_space<smem>>, %arg2: memref<96xi32, #tpu.memory_space<smem>>) -> (i32, i32, i32) {
    %get3A = arith.index_cast %arg0 : i32 to index
    %get3A_0 = memref.load %arg1[%get3A] : memref<96xi32, #tpu.memory_space<smem>>
    %c0_i32 = arith.constant 0 : i32
    %c0_i32_1 = arith.constant 0 : i32
    %c0_i32_2 = arith.constant 0 : i32
    return %get3A_0, %c0_i32, %c0_i32_1 : i32, i32, i32
  }
  func.func @transform_3(%arg0: i32, %arg1: memref<96xi32, #tpu.memory_space<smem>>, %arg2: memref<96xi32, #tpu.memory_space<smem>>) -> (i32, i32, i32) {
    %get3A = arith.index_cast %arg0 : i32 to index
    %get3A_0 = memref.load %arg1[%get3A] : memref<96xi32, #tpu.memory_space<smem>>
    %c0_i32 = arith.constant 0 : i32
    %c0_i32_1 = arith.constant 0 : i32
    %c0_i32_2 = arith.constant 0 : i32
    return %get3A_0, %c0_i32, %c0_i32_1 : i32, i32, i32
  }
  func.func @transform_4(%arg0: i32, %arg1: memref<96xi32, #tpu.memory_space<smem>>, %arg2: memref<96xi32, #tpu.memory_space<smem>>) -> (i32, i32) {
    %get3A = arith.index_cast %arg0 : i32 to index
    %get3A_0 = memref.load %arg2[%get3A] : memref<96xi32, #tpu.memory_space<smem>>
    %eq3A = arith.constant 1 : i32
    %eq3A_1 = arith.cmpi eq, %get3A_0, %eq3A : i32
    %jit3A = arith.constant 96 : i32
    %select_n3A = arith.select %eq3A_1, %arg0, %jit3A : i32
    %c0_i32 = arith.constant 0 : i32
    %c0_i32_2 = arith.constant 0 : i32
    return %select_n3A, %c0_i32 : i32, i32
  }
}

</mosaic_0001>

<sc_bundles>
// kernel: kernel.6.cloned.1.call-start
scs
__scs_entry_jumppad:
0x0: {  	(pc) =	sbr.rel $0x88, $3  }
0x1: {  	(tag) =	ssettag $0x0;
	lr =	simm.s32 $0x1  }
0x2: {  	[smem:$0x3F9C] =	sst lr;
	_ =	strace $0xD0000000  }
0x3: {  	_ = 	snop  }
0x4: {  	_ = 	snop  }
0x5: {  	_ = 	snop  }
0x6: {  	_ = 	snop  }
0x7: {  	_ = 	snop  }
__scs_overlays_trampoline_lowered:
0x8: {  	[smem:$0x3FAB] =	sst s0  }
0x9: {  	[smem:$0x3FAC] =	sst s1  }
0xa: {  	[smem:$0x3FAD] =	sst s2  }
0xb: {  	[smem:$0x3FAE] =	sst s3  }
0xc: {  	[smem:$0x3FAF] =	sst s4  }
0xd: {  	[smem:$0x3FB0] =	sst s5  }
0xe: {  	[smem:$0x3FB1] =	sst s6  }
0xf: {  	[smem:$0x3FB2] =	sst s7  }
0x10: {  	[smem:$0x3FB3] =	sst s8  }
0x11: {  	[smem:$0x3FB4] =	sst s9;
	s0 =	simm.s32 @!p0 $0x0  }
0x12: {  	s1 =	sld [smem:$0x3F9A];
	s0 =	simm.s32 @p0 $0x1  }
0x13: {  	[smem:$0x3FB5] =	sst s0;
	s0 =	simm.s32 @!p1 $0x0  }
0x14: {  	s2 =	sld [smem:$0x3F99];
	s0 =	simm.s32 @p1 $0x1  }
0x15: {  	[smem:$0x3FB6] =	sst s0;
	s0 =	simm.s32 @!p2 $0x0  }
0x16: {  	s3 =	sld [smem:$0x3FDB];
	s0 =	simm.s32 @p2 $0x1  }
0x17: {  	s4 =	simm.s32 $0x1BF5;
	[smem:$0x3FB8] =	sst s0  }
0x18: {  	s0 =	sld [smem:$0x3F9B];
	_ =	swait.ge [sflag:s4], $0x0  }
0x19: {  	s7 =	sld [smem:$0x3F9C]  }
0x1a: {  	s8 =	sadd.s32 $0xFFFFE003, lr  }
0x1b: {  	s9 =	sadd.s32 $0xFFFFFEF7, lr;
	s5 =	simm.s32 $0xFFFFFFFF;
	p2 =	slt.u32 s8, $0xFFFFF086  }
0x1c: {  	p1 =	slt.u32 s9, $0xF7A;
	s5 =	simm.s32 @!p2 $0x0  }
0x1d: {  	s5 =	simm.s32 @p1 $0x1;
	p0 =	seq.s32 s7, s2  }
0x1e: {  	s7 =	smul.u32 @!p0 $0xF7A, s2;
	p2 =	seq.s32 @!p0 s5, $0x0  }
0x1f: {  	s9 =	smul.u32 $0xF7A, s1;
	s8 =	simm.s32 @!p0 $0x1BF5;
	p2 =	por !p2, p0  }
0x20: {  	[sflag:s8] =	ssyncset.s32 @!p0 $0xFFFFF086;
	s6 =	sadd.s32 @!p0 s3, s7;
	s7 =	simm.s32 @!p0 $0x108  }
0x21: {  	s3 =	sadd.s32 s3, s9;
	s6 =	sadd.s32 @!p0 $0x88, s6;
	s7 =	simm.s32 @p2 $0x1082  }
0x22: {  	[simem:s7], [sflag:s8] =	dma.local @!p0 [hbm:s6], $0xF7A  }
0x23: {  	s9 =	sor.u32 $0xD0000000, s2;
	s6 =	simm.s32 $0x108;
	_ =	swait.ge @!p0 [sflag:s8], $0x0  }
0x24: {  	s3 =	sadd.s32 $0x88, s3;
	s6 =	simm.s32 @!p1 $0x1082;
	[sflag:s4] =	ssyncset.s32 $0xFFFFF086  }
0x25: {  	[simem:s6], [sflag:s4] =	dma.local [hbm:s3], $0xF7A  }
0x26: {  	[smem:$0x3F9C] =	sst s1;
	(tag) =	ssettag s2;
	_ =	strace s9  }
0x27: {  	s1 =	sld [smem:$0x3FAC]  }
0x28: {  	s2 =	sld [smem:$0x3FAD]  }
0x29: {  	s4 =	sld [smem:$0x3FAF]  }
0x2a: {  	p0 =	seq.s32 s5, $0x0;
	s5 =	sld [smem:$0x3FB0]  }
0x2b: {  	s6 =	sld [smem:$0x3FB1]  }
0x2c: {  	s7 =	sld [smem:$0x3FB2]  }
0x2d: {  	s3 =	simm.s32 $0x108;
	s8 =	sld [smem:$0x3FB3]  }
0x2e: {  	s3 =	simm.s32 @!p0 $0x1082;
	s9 =	sld [smem:$0x3FB4]  }
0x2f: {  	lr =	sadd.s32 s0, s3;
	s0 =	sld [smem:$0x3FAB]  }
0x30: {  	s3 =	sld [smem:$0x3FAE]  }
0x31: {  	[smem:$0x3FB7] =	sst s10  }
0x32: {  	s10 =	sld [smem:$0x3FB5];
	_ =	sdelay $0x3  }
0x33: {  	p0 =	seq.s32 s10, $0x1;
	s10 =	sld [smem:$0x3FB7];
	_ =	sdelay $0x3  }
0x34: {  	[smem:$0x3FB7] =	sst s10  }
0x35: {  	s10 =	sld [smem:$0x3FB6];
	_ =	sdelay $0x3  }
0x36: {  	p1 =	seq.s32 s10, $0x1;
	s10 =	sld [smem:$0x3FB7];
	_ =	sdelay $0x3  }
0x37: {  	[smem:$0x3FB7] =	sst s10  }
0x38: {  	s10 =	sld [smem:$0x3FB8]  }
0x39: {  	_ = 	snop;
	(pc) =	sbr.ind lr, $3  }
0x3a: {  	_ = 	snop  }
0x3b: {  	_ = 	snop  }
0x3c: {  	p2 =	seq.s32 s10, $0x1;
	s10 =	sld [smem:$0x3FB7]  }
0x3d: {  	_ =	shalt  }
0x3e: {  	_ =	shalt  }
0x3f: {  	_ =	shalt  }
0x40: {  	_ =	shalt  }
0x41: {  	_ =	shalt  }
0x42: {  	_ =	shalt  }
0x43: {  	_ =	shalt  }
0x44: {  	_ =	shalt  }
0x45: {  	_ =	shalt  }
0x46: {  	_ =	shalt  }
0x47: {  	_ =	shalt  }
0x48: {  	_ =	shalt  }
0x49: {  	_ =	shalt  }
0x4a: {  	_ =	shalt  }
0x4b: {  	_ =	shalt  }
0x4c: {  	_ =	shalt  }
0x4d: {  	_ =	shalt  }
0x4e: {  	_ =	shalt  }
0x4f: {  	_ =	shalt  }
0x50: {  	_ =	shalt  }
0x51: {  	_ =	shalt  }
0x52: {  	_ =	shalt  }
0x53: {  	_ =	shalt  }
0x54: {  	_ =	shalt  }
0x55: {  	_ =	shalt  }
0x56: {  	_ =	shalt  }
0x57: {  	_ =	shalt  }
0x58: {  	_ =	shalt  }
0x59: {  	_ =	shalt  }
0x5a: {  	_ =	shalt  }
0x5b: {  	_ =	shalt  }
0x5c: {  	_ =	shalt  }
0x5d: {  	_ =	shalt  }
0x5e: {  	_ =	shalt  }
0x5f: {  	_ =	shalt  }
0x60: {  	_ =	shalt  }
0x61: {  	_ =	shalt  }
0x62: {  	_ =	shalt  }
0x63: {  	_ =	shalt  }
0x64: {  	_ =	shalt  }
0x65: {  	_ =	shalt  }
0x66: {  	_ =	shalt  }
0x67: {  	_ =	shalt  }
0x68: {  	_ =	shalt  }
0x69: {  	_ =	shalt  }
0x6a: {  	_ =	shalt  }
0x6b: {  	_ =	shalt  }
0x6c: {  	_ =	shalt  }
0x6d: {  	_ =	shalt  }
0x6e: {  	_ =	shalt  }
0x6f: {  	_ =	shalt  }
0x70: {  	_ =	shalt  }
0x71: {  	_ =	shalt  }
0x72: {  	_ =	shalt  }
0x73: {  	_ =	shalt  }
0x74: {  	_ =	shalt  }
0x75: {  	_ =	shalt  }
0x76: {  	_ =	shalt  }
0x77: {  	_ =	shalt  }
0x78: {  	_ =	shalt  }
0x79: {  	_ =	shalt  }
0x7a: {  	_ =	shalt  }
0x7b: {  	_ =	shalt  }
0x7c: {  	_ =	shalt  }
0x7d: {  	_ =	shalt  }
0x7e: {  	_ =	shalt  }
0x7f: {  	_ =	shalt  }
0x80: {  	_ =	shalt  }
0x81: {  	_ =	shalt  }
0x82: {  	_ =	shalt  }
0x83: {  	_ =	shalt  }
0x84: {  	_ =	shalt  }
0x85: {  	_ =	shalt  }
0x86: {  	_ =	shalt  }
0x87: {  	_ =	shalt  }
.Lfunc_end0:
.L_simem_size_0:
called_computation_lowered:
.L_overlay_start_0:
0x88: {  	s2 =	sld [smem:$0x3FD9]  }
0x89: {  	s3 =	sld [smem:$0x3FFE];
	_ =	sdelay $0x1  }
0x8a: {  	s1 =	srdreg.scid  }
0x8b: {  	s0 =	sand.u32 $0x1, s1  }
0x8c: {  	s16 =	sshll.u32 s0, $0xA;
	s2 =	sadd.s32 s3, s2  }
0x8d: {  	s2 =	sadd.s32 s2, s16  }
0x8e: {  	[smem:$0x3FC3] =	sst s2  }
0x8f: {  	_ = 	snop  }
0x90: {  	(tm) =	ssettm $0x1  }
0x91: {  	s17 =	sld [smem:$0x3FFB];
	_ =	sdelay $0x3  }
0x92: {  	_ =	strace s17  }
0x93: {  	s2 =	sld [smem:$0x3FFC];
	_ =	sdelay $0x3  }
0x94: {  	_ =	strace s2  }
0x95: {  	s2 =	sld [smem:$0x3FFD];
	_ =	sdelay $0x3  }
0x96: {  	_ =	strace s2  }
0x97: {  	_ =	strace $0x8FFFFFFF  }
0x98: {  	s18 =	sld [smem:$0x3FDB];
	_ =	sdelay $0x1  }
0x99: {  	s19 =	simm.s32 $_scs_section_size  }
0x9a: {  	s4 =	simm.s32 $_size__tile_overlayer_lowered;
	s5 =	simm.s32 $_tile_overlayer_lowered  }
0x9b: {  	s22 =	simm.s32 $0x1BFF;
	s21 =	sshll.u32 s5, $0x1;
	s2 =	sadd.s32 s19, s18  }
0x9c: {  	s6 =	simm.s32 $0x0;
	s20 =	sshll.u32 s4, $0x1;
	s4 =	sadd.s32 s21, s2  }
0x9d: {  	[timem:s6], [sflag:s22] =	dma.local [hbm:s4], s20  }
0x9e: {  	_ =	swait.ge [sflag:s22], s20  }
0x9f: {  	s3 =	ssub.s32 $0x0, s20;
	[sflag:s22] =	ssyncset.done $0x0  }
0xa0: {  	[sflag:s22] =	ssyncadd.s32 s3;
	_ =	sdelay $0x1  }
0xa1: {  	s23 =	simm.s32 $0x1B8B  }
0xa2: {  	_ =	swait.ge [sflag:s23], $0x1  }
0xa3: {  	[sflag:s23] =	ssyncset.done $0x0  }
0xa4: {  	s25 =	simm.s32 $0x1B8E;
	s24 =	sld [smem:$0x3FFE];
	[sflag:s23] =	ssyncadd.s32 $0xFFFFFFFF  }
0xa5: {  	s26 =	simm.s32 $execute0_lowered;
	[smem:$0x3FD2] =	sst s25  }
0xa6: {  	s4 =	sshll.u32 s26, $0x1;
	_ =	strace $0x80000046;
	[dreg:$0x1] =	wrdreg $0xFFFFFFFF  }
0xa7: {  	s28 =	simm.s32 $_size_execute0_lowered;
	s2 =	sadd.s32 s2, s4;
	[dreg:$0x0] =	wrdreg $0x0  }
0xa8: {  	s4 =	sshll.u32 s28, $0x1;
	[dreg:$0x2] =	wrdreg s2  }
0xa9: {  	[dreg:$0x3] =	wrdreg s4  }
0xaa: {  	[dreg:$0x4] =	wrdreg $0xC0  }
0xab: {  	_ =	task [dreg:s6], $0x5FFFF  }
0xac: {  	[dreg:$0x1] =	wrdreg $0xFFFFFFFF  }
0xad: {  	[dreg:$0x0] =	wrdreg $0x60  }
0xae: {  	[dreg:$0x2] =	wrdreg s24  }
0xaf: {  	[dreg:$0x3] =	wrdreg $0x9  }
0xb0: {  	_ =	task.clear_ibuf [dreg:s6], $0x4FFFF;
	_ =	strace $0x90000046  }
0xb1: {  	s29 =	simm.s32 $0x9;
	_ =	strace $0x80000048  }
0xb2: {  	_ =	swait.ge [sflag:s29], $0x1  }
0xb3: {  	[sflag:s29] =	ssyncadd.s32 $0xFFFFFFFF  }
0xb4: {  	_ =	strace $0x90000048  }
0xb5: {  	_ =	sfence  }
0xb6: {  	s30 =	sld [smem:$0x0];
	_ =	sdelay $0x2  }
0xb7: {  	s31 =	sshll.u32 s1, $0xD;
	s1 =	sshrl.u32 s1, $0x2  }
0xb8: {  	s3 =	sand.u32 $0x4000, s31;
	s1 =	sadd.s32 s1, s30  }
0xb9: {  	s0 =	sor.u32 s3, s0;
	s1 =	sshll.u32 s1, $0x11  }
0xba: {  	s0 =	sor.u32 s1, s0  }
0xbb: {  	s0 =	sadd.s32 $0x8F2B, s0  }
0xbc: {  	[sflag:s0] =	ssyncadd.remote.s32 $0x1  }
0xbd: {  	_ =	sfence.sel $0xFFFF  }
0xbe: {  	[dreg:$0x0] =	wrdreg $0xFFFFFFFF;
	(pc) =	sbr.abs _section_cstart, $3  }
0xbf: {  	[dreg:$0x1] =	wrdreg $0xFFFFFFFF  }
0xc0: {  	_ =	task.clear_ibuf [dreg:s6], $0x2FFFF;
	_ =	strace $0x9FFFFFFF  }
0xc1: {  	(tm) =	ssettm $0x7FFFFFFF  }
tec
execute0_lowered:
.L_overlay_start_1:
0x0: {  	(tag) =	ssettag $0x1  }
0x1: {  	s1 =	srdreg.scid;
	s0 =	stileid.u32  }
0x2: {  	s6 =	rddreg [dreg:$0x0];
	s19 =	simm.s32 $0x880;
	s20 =	simm.s32 $0x1080  }
0x3: {  	s21 =	simm.s32 $0x1880;
	s22 =	simm.s32 $0x1C80;
	s23 =	simm.s32 $0x2480  }
0x4: {  	s7 =	simm.s32 $0x2C80;
	s24 =	simm.s32 $0x3480;
	s8 =	simm.s32 $0x3880  }
0x5: {  	s25 =	simm.s32 $0x4080;
	s26 =	simm.s32 $0x4880;
	s1 =	sand.u32 $0x1, s1  }
0x6: {  	s9 =	simm.s32 $0x80;
	s2 =	sshll.u32 s0, $0x4;
	s3 =	sshll.u32 s1, $0x3  }
0x7: {  	s11 =	simm.s32 $0x5480;
	s3 =	sor.u32 s3, s2;
	s2 =	simm.s32 $0x0  }
0x8: {  	s12 =	simm.s32 $0x5C80;
	s13 =	simm.s32 $0x6480;
	[smem:$0x7FF] =	sst s2  }
0x9: {  	s14 =	simm.s32 $0x6C80;
	_ =	strace $0x80000047;
	[dreg:$0x4] =	wrdreg s19  }
0xa: {  	s15 =	simm.s32 $0x7080;
	s16 =	simm.s32 $0x7880;
	[dreg:$0x5] =	wrdreg s20  }
0xb: {  	s17 =	simm.s32 $0x8080;
	s28 =	simm.s32 $0xC480;
	[dreg:$0x6] =	wrdreg s21  }
0xc: {  	s29 =	simm.s32 $0xCC80;
	s30 =	simm.s32 $0xD480;
	[dreg:$0x7] =	wrdreg s22  }
0xd: {  	s31 =	simm.s32 $0xDC80;
	s1 =	ssub.s32 $0x2, s1;
	[dreg:$0x8] =	wrdreg s23  }
0xe: {  	s5 =	sshrl.u32 s1, $0x1;
	s4 =	smul.u32 $0x380, s3;
	[dreg:$0x9] =	wrdreg s7  }
0xf: {  	s3 =	sadd.s32 s3, s6;
	s1 =	ssub.s32 s1, s5;
	[dreg:$0xa] =	wrdreg s24  }
0x10: {  	s5 =	sadd.s32 $0x38600, s6;
	s3 =	sadd.s32 $0x38200, s3;
	[dreg:$0xb] =	wrdreg s8  }
0x11: {  	s7 =	smax.u32 s1, $0x1;
	s8 =	simm.s32 $0x2;
	[dreg:$0xc] =	wrdreg s25  }
0x12: {  	[dreg:$0xd] =	wrdreg s26;
	s19 =	simm.s32 $0x8C80;
	s20 =	simm.s32 $0x9480  }
0x13: {  	s21 =	simm.s32 $0x9C80;
	s22 =	simm.s32 $0xA480;
	s23 =	simm.s32 $0xA880  }
0x14: {  	s24 =	simm.s32 $0xB080;
	s25 =	simm.s32 $0xB880;
	s26 =	simm.s32 $0xC080  }
0x15: {  	v2 =	vlaneseq.u32;
	s1 =	simm.s32 $0x1;
	s4 =	sadd.s32 s4, s6;
	[dreg:$0x2] =	wrdreg s3  }
0x16: {  	vm0 =	vmmov $0xffff;
	vm1 =	vmmov $0xff;
	v1 =	vshrl.u32 v2, $0x3;
	s3 =	sadd.s32 $0x38400, s6;
	s18 =	sadd.s32 $0x200, s4;
	s4 =	sadd.s32 $0x38500, s6  }
0x17: {  	v0 =	vand.u32 $0x7, v2;
	v2 =	vor.u32 $0x8, v2;
	v1 =	vmul.u32 $0x8, v1;
	s6 =	sadd.s32 $0x38700, s6;
	[dreg:$0x3] =	wrdreg s18;
	s18 =	simm.s32 $0x8880  }
.LBB2_1:
0x18: {  	s0 =	rddreg [dreg:$0x2]  }
0x19: {  	[tilespmem:s2], [sflag:$0x2] =	stream.linear.gather [hbm4b:s0+s2], $0x40, $0x38;
	[tilespmem:$0xE080] =	vst v63  }
0x1a: {  	_ =	swait.ge [sflag:s8], $0x40  }
0x1b: {  	[sflag:s8] =	ssyncset.done $0x0  }
0x1c: {  	s10 =	rddreg [dreg:$0x3];
	[sflag:s8] =	ssyncadd.s32 $0xFFFFFFC0  }
0x1d: {  	[tilespmem:s9], [sflag:$0x2] =	stream.linear.gather [hbm4b:s10+s2], $0xE000, $0x38;
	[tilespmem:$0xE080] =	vst v63  }
0x1e: {  	_ =	swait.ge [sflag:s8], $0xE000  }
0x1f: {  	[sflag:s8] =	ssyncset.done $0x0  }
0x20: {  	[sflag:s8] =	ssyncadd.s32 $0xFFFF2000  }
0x21: {  	v3 =	vld [tilespmem:$0x0];
	_ =	sdelay $0x4  }
0x22: {  	v4 =	vshrl.u32 v3, $0x3  }
0x23: {  	v4 =	vmul.u32 $0x38, v4  }
0x24: {  	v3 =	vand.u32 $0x7, v3  }
0x25: {  	v3 =	vor.u32 v3, v4  }
0x26: {  	v4 =	vperm.xlane v3, v0;
	_ =	sdelay $0x1  }
0x27: {  	v4 =	vadd.s32 v1, v4;
	_ =	sdelay $0x4  }
0x28: {  	[hbm4b:s3+s2] =	stream.indirect_vreg.scatter [tilespmem:s9], [sflag:$0x1], $0x80, v4, vm0, $0xb8;
	[tilespmem:$0xE080] =	vst v63  }
0x29: {  	s0 =	rddreg [dreg:$0x4];
	v3 =	vperm.xlane v3, v2  }
0x2a: {  	[hbm4b:s4+s2] =	stream.indirect_vreg.scatter [tilespmem:s0], [sflag:$0x1], $0x80, v4, vm0, $0xb8;
	[tilespmem:$0xE080] =	vst v63  }
0x2b: {  	s10 =	rddreg [dreg:$0x5];
	v3 =	vadd.s32 v1, v3  }
0x2c: {  	[hbm4b:s5+s2] =	stream.indirect_vreg.scatter [tilespmem:s10], [sflag:$0x1], $0x80, v4, vm0, $0xb8;
	[tilespmem:$0xE080] =	vst v63  }
0x2d: {  	s0 =	rddreg [dreg:$0x6]  }
0x2e: {  	[hbm4b:s6+s2] =	stream.indirect_vreg.scatter [tilespmem:s0], [sflag:$0x1], $0x80, v4, vm1, $0xb8;
	[tilespmem:$0xE080] =	vst v63  }
0x2f: {  	s10 =	rddreg [dreg:$0x7]  }
0x30: {  	[hbm4b:s3+s2] =	stream.indirect_vreg.scatter [tilespmem:s10], [sflag:$0x1], $0x80, v3, vm0, $0xb8;
	[tilespmem:$0xE080] =	vst v63  }
0x31: {  	s0 =	rddreg [dreg:$0x8]  }
0x32: {  	[hbm4b:s4+s2] =	stream.indirect_vreg.scatter [tilespmem:s0], [sflag:$0x1], $0x80, v3, vm0, $0xb8;
	[tilespmem:$0xE080] =	vst v63  }
0x33: {  	s10 =	rddreg [dreg:$0x9]  }
0x34: {  	[hbm4b:s5+s2] =	stream.indirect_vreg.scatter [tilespmem:s10], [sflag:$0x1], $0x80, v3, vm0, $0xb8;
	[tilespmem:$0xE080] =	vst v63  }
0x35: {  	s0 =	rddreg [dreg:$0xa]  }
0x36: {  	[hbm4b:s6+s2] =	stream.indirect_vreg.scatter [tilespmem:s0], [sflag:$0x1], $0x80, v3, vm1, $0xb8;
	[tilespmem:$0xE080] =	vst v63  }
0x37: {  	v3 =	vld [tilespmem:$0x10];
	_ =	sdelay $0x4  }
0x38: {  	v61 =	vshrl.u32 v3, $0x3  }
0x39: {  	v4 =	vmul.u32 $0x38, v61  }
0x3a: {  	v3 =	vand.u32 $0x7, v3  }
0x3b: {  	v3 =	vor.u32 v3, v4  }
0x3c: {  	v4 =	vperm.xlane v3, v0;
	_ =	sdelay $0x1  }
0x3d: {  	v4 =	vadd.s32 v1, v4;
	_ =	sdelay $0x3  }
0x3e: {  	s0 =	rddreg [dreg:$0xb]  }
0x3f: {  	[hbm4b:s3+s2] =	stream.indirect_vreg.scatter [tilespmem:s0], [sflag:$0x1], $0x80, v4, vm0, $0xb8;
	[tilespmem:$0xE080] =	vst v63  }
0x40: {  	s10 =	rddreg [dreg:$0xc];
	v3 =	vperm.xlane v3, v2  }
0x41: {  	[hbm4b:s4+s2] =	stream.indirect_vreg.scatter [tilespmem:s10], [sflag:$0x1], $0x80, v4, vm0, $0xb8;
	[tilespmem:$0xE080] =	vst v63  }
0x42: {  	v3 =	vadd.s32 v1, v3;
	s0 =	rddreg [dreg:$0xd]  }
0x43: {  	[hbm4b:s5+s2] =	stream.indirect_vreg.scatter [tilespmem:s0], [sflag:$0x1], $0x80, v4, vm0, $0xb8;
	[tilespmem:$0xE080] =	vst v63  }
0x44: {  	s10 =	simm.s32 $0x5080  }
0x45: {  	[hbm4b:s6+s2] =	stream.indirect_vreg.scatter [tilespmem:s10], [sflag:$0x1], $0x80, v4, vm1, $0xb8;
	[tilespmem:$0xE080] =	vst v63  }
0x46: {  	_ = 	snop  }
0x47: {  	[hbm4b:s3+s2] =	stream.indirect_vreg.scatter [tilespmem:s11], [sflag:$0x1], $0x80, v3, vm0, $0xb8;
	[tilespmem:$0xE080] =	vst v63  }
0x48: {  	_ = 	snop  }
0x49: {  	[hbm4b:s4+s2] =	stream.indirect_vreg.scatter [tilespmem:s12], [sflag:$0x1], $0x80, v3, vm0, $0xb8;
	[tilespmem:$0xE080] =	vst v63  }
0x4a: {  	_ = 	snop  }
0x4b: {  	[hbm4b:s5+s2] =	stream.indirect_vreg.scatter [tilespmem:s13], [sflag:$0x1], $0x80, v3, vm0, $0xb8;
	[tilespmem:$0xE080] =	vst v63  }
0x4c: {  	_ = 	snop  }
0x4d: {  	[hbm4b:s6+s2] =	stream.indirect_vreg.scatter [tilespmem:s14], [sflag:$0x1], $0x80, v3, vm1, $0xb8;
	[tilespmem:$0xE080] =	vst v63  }
0x4e: {  	v3 =	vld [tilespmem:$0x20];
	_ =	sdelay $0x4  }
0x4f: {  	v62 =	vshrl.u32 v3, $0x3  }
0x50: {  	v4 =	vmul.u32 $0x38, v62  }
0x51: {  	v3 =	vand.u32 $0x7, v3  }
0x52: {  	v3 =	vor.u32 v3, v4  }
0x53: {  	v4 =	vperm.xlane v3, v0;
	_ =	sdelay $0x1  }
0x54: {  	v4 =	vadd.s32 v1, v4;
	_ =	sdelay $0x4  }
0x55: {  	[hbm4b:s3+s2] =	stream.indirect_vreg.scatter [tilespmem:s15], [sflag:$0x1], $0x80, v4, vm0, $0xb8;
	[tilespmem:$0xE080] =	vst v63  }
0x56: {  	v3 =	vperm.xlane v3, v2  }
0x57: {  	[hbm4b:s4+s2] =	stream.indirect_vreg.scatter [tilespmem:s16], [sflag:$0x1], $0x80, v4, vm0, $0xb8;
	[tilespmem:$0xE080] =	vst v63  }
0x58: {  	v3 =	vadd.s32 v1, v3  }
0x59: {  	[hbm4b:s5+s2] =	stream.indirect_vreg.scatter [tilespmem:s17], [sflag:$0x1], $0x80, v4, vm0, $0xb8;
	[tilespmem:$0xE080] =	vst v63  }
0x5a: {  	_ = 	snop  }
0x5b: {  	[hbm4b:s6+s2] =	stream.indirect_vreg.scatter [tilespmem:s18], [sflag:$0x1], $0x80, v4, vm1, $0xb8;
	[tilespmem:$0xE080] =	vst v63  }
0x5c: {  	_ = 	snop  }
0x5d: {  	[hbm4b:s3+s2] =	stream.indirect_vreg.scatter [tilespmem:s19], [sflag:$0x1], $0x80, v3, vm0, $0xb8;
	[tilespmem:$0xE080] =	vst v63  }
0x5e: {  	_ = 	snop  }
0x5f: {  	[hbm4b:s4+s2] =	stream.indirect_vreg.scatter [tilespmem:s20], [sflag:$0x1], $0x80, v3, vm0, $0xb8;
	[tilespmem:$0xE080] =	vst v63  }
0x60: {  	_ = 	snop  }
0x61: {  	[hbm4b:s5+s2] =	stream.indirect_vreg.scatter [tilespmem:s21], [sflag:$0x1], $0x80, v3, vm0, $0xb8;
	[tilespmem:$0xE080] =	vst v63  }
0x62: {  	_ = 	snop  }
0x63: {  	[hbm4b:s6+s2] =	stream.indirect_vreg.scatter [tilespmem:s22], [sflag:$0x1], $0x80, v3, vm1, $0xb8;
	[tilespmem:$0xE080] =	vst v63  }
0x64: {  	v3 =	vld [tilespmem:$0x30];
	_ =	sdelay $0x4  }
0x65: {  	v63 =	vshrl.u32 v3, $0x3  }
0x66: {  	v4 =	vmul.u32 $0x38, v63  }
0x67: {  	v3 =	vand.u32 $0x7, v3  }
0x68: {  	v3 =	vor.u32 v3, v4  }
0x69: {  	v4 =	vperm.xlane v3, v0;
	_ =	sdelay $0x1  }
0x6a: {  	v4 =	vadd.s32 v1, v4;
	_ =	sdelay $0x4  }
0x6b: {  	[hbm4b:s3+s2] =	stream.indirect_vreg.scatter [tilespmem:s23], [sflag:$0x1], $0x80, v4, vm0, $0xb8;
	[tilespmem:$0xE080] =	vst v63  }
0x6c: {  	v3 =	vperm.xlane v3, v2  }
0x6d: {  	[hbm4b:s4+s2] =	stream.indirect_vreg.scatter [tilespmem:s24], [sflag:$0x1], $0x80, v4, vm0, $0xb8;
	[tilespmem:$0xE080] =	vst v63  }
0x6e: {  	v3 =	vadd.s32 v1, v3  }
0x6f: {  	[hbm4b:s5+s2] =	stream.indirect_vreg.scatter [tilespmem:s25], [sflag:$0x1], $0x80, v4, vm0, $0xb8;
	[tilespmem:$0xE080] =	vst v63  }
0x70: {  	_ = 	snop  }
0x71: {  	[hbm4b:s6+s2] =	stream.indirect_vreg.scatter [tilespmem:s26], [sflag:$0x1], $0x80, v4, vm1, $0xb8;
	[tilespmem:$0xE080] =	vst v63  }
0x72: {  	_ = 	snop  }
0x73: {  	[hbm4b:s3+s2] =	stream.indirect_vreg.scatter [tilespmem:s28], [sflag:$0x1], $0x80, v3, vm0, $0xb8;
	[tilespmem:$0xE080] =	vst v63  }
0x74: {  	_ = 	snop  }
0x75: {  	[hbm4b:s4+s2] =	stream.indirect_vreg.scatter [tilespmem:s29], [sflag:$0x1], $0x80, v3, vm0, $0xb8;
	[tilespmem:$0xE080] =	vst v63  }
0x76: {  	p0 =	sne.s32 s7, $0x1  }
0x77: {  	[hbm4b:s5+s2] =	stream.indirect_vreg.scatter [tilespmem:s30], [sflag:$0x1], $0x80, v3, vm0, $0xb8;
	[tilespmem:$0xE080] =	vst v63  }
.Ltmp0:
0x78: {  	_ = 	snop;
	(pc) =	sbr.rel @p0 .LBB2_1-.Ltmp0, $4  }
0x79: {  	[hbm4b:s6+s2] =	stream.indirect_vreg.scatter [tilespmem:s31], [sflag:$0x1], $0x80, v3, vm1, $0xb8;
	[tilespmem:$0xE080] =	vst v63  }
0x7a: {  	_ =	swait.ge [sflag:s1], $0xE000  }
0x7b: {  	[sflag:s1] =	ssyncset.done $0x0  }
0x7c: {  	s7 =	sadd.s32 $0xFFFFFFFF, s7;
	[sflag:s1] =	ssyncadd.s32 $0xFFFF2000  }
0x7d: {  	_ =	sfence.sel $0x180000  }
0x7e: {  	[bflag:$0x0] =	sbarrier.arrive $0xFFFF  }
0x7f: {  	_ =	strace $0x90000047  }
0x80: {  	s0 =	stileid.u32;
	[bflag:$0x2] =	sbarrier.arrive $0xFFFF  }
0x81: {  	p0 =	sne.s32 s0, $0x0;
	s0 =	rddreg [dreg:$0x1]  }
0x82: {  	s0 =	sadd.s32 @!p0 $0x100000, s0  }
0x83: {  	[sflag:s0] =	ssyncadd.tile.s32 @!p0 $0x1;
	_ =	shalt  }
.Lfunc_end2:
_tile_overlayer_lowered:
.L_overlay_start_2:
0x84: {  	(tag) =	ssettag $0x2  }
0x85: {  	s0 =	rddreg [dreg:$0x0];
	s2 =	stileid.u32  }
0x86: {  	s1 =	rddreg [dreg:$0x1];
	p0 =	sne.s32 s2, $0x0  }
0x87: {  	s3 =	rddreg [dreg:$0x2];
	[bflag:$0x3] =	sbarrier.arrive $0xFFFF;
	s2 =	simm.s32 @!p0 $0x1C02  }
0x88: {  	[timem:s3], [sflag:s2] =	dma.local @!p0 [hbm:s0], s1  }
0x89: {  	s0 =	simm.s32 @!p0 $0x2  }
0x8a: {  	_ =	swait.ge @!p0 [sflag:s0], s1  }
0x8b: {  	s1 =	ssub.s32 @!p0 $0x0, s1;
	[sflag:s0] =	ssyncset.done @!p0 $0x0  }
0x8c: {  	[sflag:s0] =	ssyncadd.s32 @!p0 s1  }
0x8d: {  	[bflag:$0x3] =	sbarrier.arrive $0xFFFF  }
0x8e: {  	_ =	shalt  }

// kernel: kernel.9.cloned.1.call-start
scs
__scs_entry_jumppad:
0x0: {  	(pc) =	sbr.rel $0x88, $3  }
0x1: {  	(tag) =	ssettag $0x0;
	lr =	simm.s32 $0x1  }
0x2: {  	[smem:$0x3F9C] =	sst lr;
	_ =	strace $0xD0000000  }
0x3: {  	_ = 	snop  }
0x4: {  	_ = 	snop  }
0x5: {  	_ = 	snop  }
0x6: {  	_ = 	snop  }
0x7: {  	_ = 	snop  }
__scs_overlays_trampoline_lowered:
0x8: {  	[smem:$0x3FAB] =	sst s0  }
0x9: {  	[smem:$0x3FAC] =	sst s1  }
0xa: {  	[smem:$0x3FAD] =	sst s2  }
0xb: {  	[smem:$0x3FAE] =	sst s3  }
0xc: {  	[smem:$0x3FAF] =	sst s4  }
0xd: {  	[smem:$0x3FB0] =	sst s5  }
0xe: {  	[smem:$0x3FB1] =	sst s6  }
0xf: {  	[smem:$0x3FB2] =	sst s7  }
0x10: {  	[smem:$0x3FB3] =	sst s8  }
0x11: {  	[smem:$0x3FB4] =	sst s9;
	s0 =	simm.s32 @!p0 $0x0  }
0x12: {  	s1 =	sld [smem:$0x3F9A];
	s0 =	simm.s32 @p0 $0x1  }
0x13: {  	[smem:$0x3FB5] =	sst s0;
	s0 =	simm.s32 @!p1 $0x0  }
0x14: {  	s2 =	sld [smem:$0x3F99];
	s0 =	simm.s32 @p1 $0x1  }
0x15: {  	[smem:$0x3FB6] =	sst s0;
	s0 =	simm.s32 @!p2 $0x0  }
0x16: {  	s3 =	sld [smem:$0x3FDB];
	s0 =	simm.s32 @p2 $0x1  }
0x17: {  	s4 =	simm.s32 $0x1BF5;
	[smem:$0x3FB8] =	sst s0  }
0x18: {  	s0 =	sld [smem:$0x3F9B];
	_ =	swait.ge [sflag:s4], $0x0  }
0x19: {  	s7 =	sld [smem:$0x3F9C]  }
0x1a: {  	s8 =	sadd.s32 $0xFFFFE003, lr  }
0x1b: {  	s9 =	sadd.s32 $0xFFFFFEF7, lr;
	s5 =	simm.s32 $0xFFFFFFFF;
	p2 =	slt.u32 s8, $0xFFFFF086  }
0x1c: {  	p1 =	slt.u32 s9, $0xF7A;
	s5 =	simm.s32 @!p2 $0x0  }
0x1d: {  	s5 =	simm.s32 @p1 $0x1;
	p0 =	seq.s32 s7, s2  }
0x1e: {  	s7 =	smul.u32 @!p0 $0xF7A, s2;
	p2 =	seq.s32 @!p0 s5, $0x0  }
0x1f: {  	s9 =	smul.u32 $0xF7A, s1;
	s8 =	simm.s32 @!p0 $0x1BF5;
	p2 =	por !p2, p0  }
0x20: {  	[sflag:s8] =	ssyncset.s32 @!p0 $0xFFFFF086;
	s6 =	sadd.s32 @!p0 s3, s7;
	s7 =	simm.s32 @!p0 $0x108  }
0x21: {  	s3 =	sadd.s32 s3, s9;
	s6 =	sadd.s32 @!p0 $0x88, s6;
	s7 =	simm.s32 @p2 $0x1082  }
0x22: {  	[simem:s7], [sflag:s8] =	dma.local @!p0 [hbm:s6], $0xF7A  }
0x23: {  	s9 =	sor.u32 $0xD0000000, s2;
	s6 =	simm.s32 $0x108;
	_ =	swait.ge @!p0 [sflag:s8], $0x0  }
0x24: {  	s3 =	sadd.s32 $0x88, s3;
	s6 =	simm.s32 @!p1 $0x1082;
	[sflag:s4] =	ssyncset.s32 $0xFFFFF086  }
0x25: {  	[simem:s6], [sflag:s4] =	dma.local [hbm:s3], $0xF7A  }
0x26: {  	[smem:$0x3F9C] =	sst s1;
	(tag) =	ssettag s2;
	_ =	strace s9  }
0x27: {  	s1 =	sld [smem:$0x3FAC]  }
0x28: {  	s2 =	sld [smem:$0x3FAD]  }
0x29: {  	s4 =	sld [smem:$0x3FAF]  }
0x2a: {  	p0 =	seq.s32 s5, $0x0;
	s5 =	sld [smem:$0x3FB0]  }
0x2b: {  	s6 =	sld [smem:$0x3FB1]  }
0x2c: {  	s7 =	sld [smem:$0x3FB2]  }
0x2d: {  	s3 =	simm.s32 $0x108;
	s8 =	sld [smem:$0x3FB3]  }
0x2e: {  	s3 =	simm.s32 @!p0 $0x1082;
	s9 =	sld [smem:$0x3FB4]  }
0x2f: {  	lr =	sadd.s32 s0, s3;
	s0 =	sld [smem:$0x3FAB]  }
0x30: {  	s3 =	sld [smem:$0x3FAE]  }
0x31: {  	[smem:$0x3FB7] =	sst s10  }
0x32: {  	s10 =	sld [smem:$0x3FB5];
	_ =	sdelay $0x3  }
0x33: {  	p0 =	seq.s32 s10, $0x1;
	s10 =	sld [smem:$0x3FB7];
	_ =	sdelay $0x3  }
0x34: {  	[smem:$0x3FB7] =	sst s10  }
0x35: {  	s10 =	sld [smem:$0x3FB6];
	_ =	sdelay $0x3  }
0x36: {  	p1 =	seq.s32 s10, $0x1;
	s10 =	sld [smem:$0x3FB7];
	_ =	sdelay $0x3  }
0x37: {  	[smem:$0x3FB7] =	sst s10  }
0x38: {  	s10 =	sld [smem:$0x3FB8]  }
0x39: {  	_ = 	snop;
	(pc) =	sbr.ind lr, $3  }
0x3a: {  	_ = 	snop  }
0x3b: {  	_ = 	snop  }
0x3c: {  	p2 =	seq.s32 s10, $0x1;
	s10 =	sld [smem:$0x3FB7]  }
0x3d: {  	_ =	shalt  }
0x3e: {  	_ =	shalt  }
0x3f: {  	_ =	shalt  }
0x40: {  	_ =	shalt  }
0x41: {  	_ =	shalt  }
0x42: {  	_ =	shalt  }
0x43: {  	_ =	shalt  }
0x44: {  	_ =	shalt  }
0x45: {  	_ =	shalt  }
0x46: {  	_ =	shalt  }
0x47: {  	_ =	shalt  }
0x48: {  	_ =	shalt  }
0x49: {  	_ =	shalt  }
0x4a: {  	_ =	shalt  }
0x4b: {  	_ =	shalt  }
0x4c: {  	_ =	shalt  }
0x4d: {  	_ =	shalt  }
0x4e: {  	_ =	shalt  }
0x4f: {  	_ =	shalt  }
0x50: {  	_ =	shalt  }
0x51: {  	_ =	shalt  }
0x52: {  	_ =	shalt  }
0x53: {  	_ =	shalt  }
0x54: {  	_ =	shalt  }
0x55: {  	_ =	shalt  }
0x56: {  	_ =	shalt  }
0x57: {  	_ =	shalt  }
0x58: {  	_ =	shalt  }
0x59: {  	_ =	shalt  }
0x5a: {  	_ =	shalt  }
0x5b: {  	_ =	shalt  }
0x5c: {  	_ =	shalt  }
0x5d: {  	_ =	shalt  }
0x5e: {  	_ =	shalt  }
0x5f: {  	_ =	shalt  }
0x60: {  	_ =	shalt  }
0x61: {  	_ =	shalt  }
0x62: {  	_ =	shalt  }
0x63: {  	_ =	shalt  }
0x64: {  	_ =	shalt  }
0x65: {  	_ =	shalt  }
0x66: {  	_ =	shalt  }
0x67: {  	_ =	shalt  }
0x68: {  	_ =	shalt  }
0x69: {  	_ =	shalt  }
0x6a: {  	_ =	shalt  }
0x6b: {  	_ =	shalt  }
0x6c: {  	_ =	shalt  }
0x6d: {  	_ =	shalt  }
0x6e: {  	_ =	shalt  }
0x6f: {  	_ =	shalt  }
0x70: {  	_ =	shalt  }
0x71: {  	_ =	shalt  }
0x72: {  	_ =	shalt  }
0x73: {  	_ =	shalt  }
0x74: {  	_ =	shalt  }
0x75: {  	_ =	shalt  }
0x76: {  	_ =	shalt  }
0x77: {  	_ =	shalt  }
0x78: {  	_ =	shalt  }
0x79: {  	_ =	shalt  }
0x7a: {  	_ =	shalt  }
0x7b: {  	_ =	shalt  }
0x7c: {  	_ =	shalt  }
0x7d: {  	_ =	shalt  }
0x7e: {  	_ =	shalt  }
0x7f: {  	_ =	shalt  }
0x80: {  	_ =	shalt  }
0x81: {  	_ =	shalt  }
0x82: {  	_ =	shalt  }
0x83: {  	_ =	shalt  }
0x84: {  	_ =	shalt  }
0x85: {  	_ =	shalt  }
0x86: {  	_ =	shalt  }
0x87: {  	_ =	shalt  }
.Lfunc_end0:
.L_simem_size_0:
called_computation.1_lowered:
.L_overlay_start_0:
0x88: {  	s2 =	sld [smem:$0x3FD9]  }
0x89: {  	s3 =	sld [smem:$0x3FFE];
	_ =	sdelay $0x1  }
0x8a: {  	s1 =	srdreg.scid  }
0x8b: {  	s0 =	sand.u32 $0x1, s1  }
0x8c: {  	s17 =	sshll.u32 s0, $0xA;
	s2 =	sadd.s32 s3, s2  }
0x8d: {  	s2 =	sadd.s32 s2, s17  }
0x8e: {  	[smem:$0x3FC3] =	sst s2  }
0x8f: {  	_ = 	snop  }
0x90: {  	s2 =	sld [smem:$0x3FD0];
	(tm) =	ssettm $0x1  }
0x91: {  	s18 =	sld [smem:$0x3FFB];
	_ =	sdelay $0x3  }
0x92: {  	_ =	strace s18  }
0x93: {  	s3 =	sld [smem:$0x3FFC];
	_ =	sdelay $0x3  }
0x94: {  	_ =	strace s3  }
0x95: {  	s3 =	sld [smem:$0x3FFD];
	_ =	sdelay $0x3  }
0x96: {  	_ =	strace s3  }
0x97: {  	_ =	strace $0x8FFFFFFF  }
0x98: {  	s19 =	sld [smem:$0x3FDB];
	_ =	sdelay $0x1  }
0x99: {  	s4 =	simm.s32 $_scs_section_size  }
0x9a: {  	s5 =	simm.s32 $_size__tile_overlayer_lowered;
	s6 =	simm.s32 $_tile_overlayer_lowered  }
0x9b: {  	s22 =	simm.s32 $0x1BFF;
	s21 =	sshll.u32 s6, $0x1;
	s3 =	sadd.s32 s4, s19  }
0x9c: {  	s7 =	simm.s32 $0x0;
	s20 =	sshll.u32 s5, $0x1;
	s5 =	sadd.s32 s21, s3  }
0x9d: {  	[timem:s7], [sflag:s22] =	dma.local [hbm:s5], s20  }
0x9e: {  	_ =	swait.ge [sflag:s22], s20  }
0x9f: {  	s4 =	ssub.s32 $0x0, s20;
	[sflag:s22] =	ssyncset.done $0x0  }
0xa0: {  	[sflag:s22] =	ssyncadd.s32 s4;
	_ =	sdelay $0x1  }
0xa1: {  	s23 =	simm.s32 $0x1B8B  }
0xa2: {  	_ =	swait.ge [sflag:s23], $0x1  }
0xa3: {  	[sflag:s23] =	ssyncset.done $0x0  }
0xa4: {  	s25 =	simm.s32 $0x1B8E;
	s24 =	sld [smem:$0x3FFE];
	[sflag:s23] =	ssyncadd.s32 $0xFFFFFFFF  }
0xa5: {  	s26 =	simm.s32 $execute0_lowered;
	[smem:$0x3FD2] =	sst s25  }
0xa6: {  	s5 =	sshll.u32 s26, $0x1;
	_ =	strace $0x80000049;
	[dreg:$0x1] =	wrdreg $0xFFFFFFFF  }
0xa7: {  	s28 =	simm.s32 $_size_execute0_lowered;
	s3 =	sadd.s32 s3, s5;
	[dreg:$0x0] =	wrdreg $0x0  }
0xa8: {  	s5 =	sshll.u32 s28, $0x1;
	[dreg:$0x2] =	wrdreg s3  }
0xa9: {  	[dreg:$0x3] =	wrdreg s5  }
0xaa: {  	[dreg:$0x4] =	wrdreg $0xC0  }
0xab: {  	_ =	task [dreg:s7], $0x5FFFF  }
0xac: {  	[dreg:$0x1] =	wrdreg $0xFFFFFFFF  }
0xad: {  	[dreg:$0x0] =	wrdreg $0x60  }
0xae: {  	[dreg:$0x2] =	wrdreg s24  }
0xaf: {  	[dreg:$0x3] =	wrdreg s2  }
0xb0: {  	[dreg:$0x4] =	wrdreg $0x9  }
0xb1: {  	_ =	task.clear_ibuf [dreg:s7], $0x5FFFF;
	_ =	strace $0x90000049  }
0xb2: {  	s29 =	simm.s32 $0x9;
	_ =	strace $0x8000004B  }
0xb3: {  	_ =	swait.ge [sflag:s29], $0x1  }
0xb4: {  	[sflag:s29] =	ssyncadd.s32 $0xFFFFFFFF  }
0xb5: {  	_ =	strace $0x9000004B  }
0xb6: {  	_ =	sfence  }
0xb7: {  	s30 =	sld [smem:$0x0];
	_ =	sdelay $0x2  }
0xb8: {  	s31 =	sshll.u32 s1, $0xD;
	s1 =	sshrl.u32 s1, $0x2  }
0xb9: {  	s3 =	sand.u32 $0x4000, s31;
	s1 =	sadd.s32 s1, s30  }
0xba: {  	s0 =	sor.u32 s3, s0;
	s1 =	sshll.u32 s1, $0x11  }
0xbb: {  	s0 =	sor.u32 s1, s0  }
0xbc: {  	s0 =	sadd.s32 $0x8F2B, s0  }
0xbd: {  	[sflag:s0] =	ssyncadd.remote.s32 $0x1  }
0xbe: {  	_ =	sfence.sel $0xFFFF  }
0xbf: {  	[dreg:$0x0] =	wrdreg $0xFFFFFFFF;
	(pc) =	sbr.abs _section_cstart, $3  }
0xc0: {  	[dreg:$0x1] =	wrdreg $0xFFFFFFFF  }
0xc1: {  	_ =	task.clear_ibuf [dreg:s7], $0x2FFFF;
	_ =	strace $0x9FFFFFFF  }
0xc2: {  	(tm) =	ssettm $0x7FFFFFFF  }
0xc3: {  	_ =	shalt  }
tec
execute0_lowered:
.L_overlay_start_1:
0x0: {  	(tag) =	ssettag $0x1  }
0x1: {  	s0 =	rddreg [dreg:$0x0]  }
0x2: {  	s5 =	rddreg [dreg:$0x1];
	s3 =	srdreg.scid  }
0x3: {  	s2 =	simm.s32 $0x0;
	s1 =	stileid.u32;
	s26 =	simm.s32 $0x880  }
0x4: {  	s10 =	simm.s32 $0x1880;
	s11 =	simm.s32 $0x2080;
	s12 =	simm.s32 $0x2880  }
0x5: {  	s13 =	simm.s32 $0x3080;
	s14 =	simm.s32 $0x3880;
	s15 =	simm.s32 $0x4080  }
0x6: {  	s16 =	simm.s32 $0x4880;
	s17 =	simm.s32 $0x5080;
	s18 =	simm.s32 $0x5880  }
0x7: {  	s19 =	simm.s32 $0x6080;
	s20 =	simm.s32 $0x6880;
	s21 =	simm.s32 $0x7080  }
0x8: {  	s22 =	simm.s32 $0x7880;
	s28 =	simm.s32 $0xA080;
	s29 =	simm.s32 $0xA880  }
0x9: {  	s30 =	simm.s32 $0xB080;
	s31 =	simm.s32 $0xB880;
	s3 =	sand.u32 $0x1, s3  }
0xa: {  	[smem:$0x7FF] =	sst s2;
	s4 =	sshll.u32 s1, $0x4;
	s6 =	sshll.u32 s3, $0x3  }
0xb: {  	_ =	strace $0x8000004A;
	s23 =	ssub.s32 $0x2, s3;
	s3 =	sadd.s32 $0x38400, s0  }
0xc: {  	[dreg:$0x5] =	wrdreg s26;
	s26 =	simm.s32 $0x9880;
	s4 =	sor.u32 s6, s4  }
0xd: {  	s8 =	sshrl.u32 s23, $0x1;
	s7 =	sadd.s32 s4, s0;
	s9 =	smul.u32 $0x300, s4  }
0xe: {  	s6 =	ssub.s32 s23, s8;
	s4 =	sadd.s32 $0x38500, s0;
	s8 =	simm.s32 $0x80  }
0xf: {  	s23 =	simm.s32 $0x8080;
	s24 =	sadd.s32 $0x38200, s7;
	s6 =	smax.u32 s6, $0x1  }
0x10: {  	v2 =	vlaneseq.u32;
	s7 =	simm.s32 $0x2;
	[dreg:$0x3] =	wrdreg s24;
	s25 =	sadd.s32 s5, s9  }
0x11: {  	vm0 =	vmmov $0xffff;
	v1 =	vshrl.u32 v2, $0x3;
	s5 =	sadd.s32 $0x38600, s0;
	s9 =	simm.s32 $0x1080;
	s24 =	simm.s32 $0x8880  }
0x12: {  	v0 =	vand.u32 $0x7, v2;
	v2 =	vor.u32 $0x8, v2;
	v1 =	vmul.u32 $0x8, v1;
	s0 =	simm.s32 $0x1;
	[dreg:$0x4] =	wrdreg s25;
	s25 =	simm.s32 $0x9080  }
.LBB2_1:
0x13: {  	s1 =	rddreg [dreg:$0x3]  }
0x14: {  	[tilespmem:s2], [sflag:$0x2] =	stream.linear.gather [hbm4b:s1+s2], $0x40, $0x38;
	[tilespmem:$0xC080] =	vst v63  }
0x15: {  	_ =	swait.ge [sflag:s7], $0x40  }
0x16: {  	[sflag:s7] =	ssyncset.done $0x0  }
0x17: {  	[sflag:s7] =	ssyncadd.s32 $0xFFFFFFC0  }
0x18: {  	v3 =	vld [tilespmem:$0x0];
	_ =	sdelay $0x4  }
0x19: {  	v4 =	vshrl.u32 v3, $0x3  }
0x1a: {  	v4 =	vmul.u32 $0x30, v4  }
0x1b: {  	v3 =	vand.u32 $0x7, v3  }
0x1c: {  	v3 =	vor.u32 v3, v4  }
0x1d: {  	v4 =	vperm.xlane v3, v0;
	_ =	sdelay $0x1  }
0x1e: {  	v4 =	vadd.s32 v1, v4;
	_ =	sdelay $0x3  }
0x1f: {  	v3 =	vperm.xlane v3, v2  }
0x20: {  	[tilespmem:s8], [sflag:$0x1] =	stream.indirect_vreg.gather [hbm4b:s3+s2], $0x80, v4, vm0, $0xb8;
	[tilespmem:$0xC080] =	vst v63  }
0x21: {  	s1 =	rddreg [dreg:$0x5];
	v3 =	vadd.s32 v1, v3  }
0x22: {  	[tilespmem:s1], [sflag:$0x1] =	stream.indirect_vreg.gather [hbm4b:s4+s2], $0x80, v4, vm0, $0xb8;
	[tilespmem:$0xC080] =	vst v63  }
0x23: {  	_ = 	snop  }
0x24: {  	[tilespmem:s9], [sflag:$0x1] =	stream.indirect_vreg.gather [hbm4b:s5+s2], $0x80, v4, vm0, $0xb8;
	[tilespmem:$0xC080] =	vst v63  }
0x25: {  	_ = 	snop  }
0x26: {  	[tilespmem:s10], [sflag:$0x1] =	stream.indirect_vreg.gather [hbm4b:s3+s2], $0x80, v3, vm0, $0xb8;
	[tilespmem:$0xC080] =	vst v63  }
0x27: {  	_ = 	snop  }
0x28: {  	[tilespmem:s11], [sflag:$0x1] =	stream.indirect_vreg.gather [hbm4b:s4+s2], $0x80, v3, vm0, $0xb8;
	[tilespmem:$0xC080] =	vst v63  }
0x29: {  	_ = 	snop  }
0x2a: {  	[tilespmem:s12], [sflag:$0x1] =	stream.indirect_vreg.gather [hbm4b:s5+s2], $0x80, v3, vm0, $0xb8;
	[tilespmem:$0xC080] =	vst v63  }
0x2b: {  	v3 =	vld [tilespmem:$0x10];
	_ =	sdelay $0x4  }
0x2c: {  	v61 =	vshrl.u32 v3, $0x3  }
0x2d: {  	v4 =	vmul.u32 $0x30, v61  }
0x2e: {  	v3 =	vand.u32 $0x7, v3  }
0x2f: {  	v3 =	vor.u32 v3, v4  }
0x30: {  	v4 =	vperm.xlane v3, v0;
	_ =	sdelay $0x1  }
0x31: {  	v4 =	vadd.s32 v1, v4;
	_ =	sdelay $0x3  }
0x32: {  	v3 =	vperm.xlane v3, v2  }
0x33: {  	[tilespmem:s13], [sflag:$0x1] =	stream.indirect_vreg.gather [hbm4b:s3+s2], $0x80, v4, vm0, $0xb8;
	[tilespmem:$0xC080] =	vst v63  }
0x34: {  	v3 =	vadd.s32 v1, v3  }
0x35: {  	[tilespmem:s14], [sflag:$0x1] =	stream.indirect_vreg.gather [hbm4b:s4+s2], $0x80, v4, vm0, $0xb8;
	[tilespmem:$0xC080] =	vst v63  }
0x36: {  	_ = 	snop  }
0x37: {  	[tilespmem:s15], [sflag:$0x1] =	stream.indirect_vreg.gather [hbm4b:s5+s2], $0x80, v4, vm0, $0xb8;
	[tilespmem:$0xC080] =	vst v63  }
0x38: {  	_ = 	snop  }
0x39: {  	[tilespmem:s16], [sflag:$0x1] =	stream.indirect_vreg.gather [hbm4b:s3+s2], $0x80, v3, vm0, $0xb8;
	[tilespmem:$0xC080] =	vst v63  }
0x3a: {  	_ = 	snop  }
0x3b: {  	[tilespmem:s17], [sflag:$0x1] =	stream.indirect_vreg.gather [hbm4b:s4+s2], $0x80, v3, vm0, $0xb8;
	[tilespmem:$0xC080] =	vst v63  }
0x3c: {  	_ = 	snop  }
0x3d: {  	[tilespmem:s18], [sflag:$0x1] =	stream.indirect_vreg.gather [hbm4b:s5+s2], $0x80, v3, vm0, $0xb8;
	[tilespmem:$0xC080] =	vst v63  }
0x3e: {  	v3 =	vld [tilespmem:$0x20];
	_ =	sdelay $0x4  }
0x3f: {  	v62 =	vshrl.u32 v3, $0x3  }
0x40: {  	v4 =	vmul.u32 $0x30, v62  }
0x41: {  	v3 =	vand.u32 $0x7, v3  }
0x42: {  	v3 =	vor.u32 v3, v4  }
0x43: {  	v4 =	vperm.xlane v3, v0;
	_ =	sdelay $0x1  }
0x44: {  	v4 =	vadd.s32 v1, v4;
	_ =	sdelay $0x3  }
0x45: {  	v3 =	vperm.xlane v3, v2  }
0x46: {  	[tilespmem:s19], [sflag:$0x1] =	stream.indirect_vreg.gather [hbm4b:s3+s2], $0x80, v4, vm0, $0xb8;
	[tilespmem:$0xC080] =	vst v63  }
0x47: {  	v3 =	vadd.s32 v1, v3  }
0x48: {  	[tilespmem:s20], [sflag:$0x1] =	stream.indirect_vreg.gather [hbm4b:s4+s2], $0x80, v4, vm0, $0xb8;
	[tilespmem:$0xC080] =	vst v63  }
0x49: {  	_ = 	snop  }
0x4a: {  	[tilespmem:s21], [sflag:$0x1] =	stream.indirect_vreg.gather [hbm4b:s5+s2], $0x80, v4, vm0, $0xb8;
	[tilespmem:$0xC080] =	vst v63  }
0x4b: {  	_ = 	snop  }
0x4c: {  	[tilespmem:s22], [sflag:$0x1] =	stream.indirect_vreg.gather [hbm4b:s3+s2], $0x80, v3, vm0, $0xb8;
	[tilespmem:$0xC080] =	vst v63  }
0x4d: {  	_ = 	snop  }
0x4e: {  	[tilespmem:s23], [sflag:$0x1] =	stream.indirect_vreg.gather [hbm4b:s4+s2], $0x80, v3, vm0, $0xb8;
	[tilespmem:$0xC080] =	vst v63  }
0x4f: {  	_ = 	snop  }
0x50: {  	[tilespmem:s24], [sflag:$0x1] =	stream.indirect_vreg.gather [hbm4b:s5+s2], $0x80, v3, vm0, $0xb8;
	[tilespmem:$0xC080] =	vst v63  }
0x51: {  	v3 =	vld [tilespmem:$0x30];
	_ =	sdelay $0x4  }
0x52: {  	v63 =	vshrl.u32 v3, $0x3  }
0x53: {  	v4 =	vmul.u32 $0x30, v63  }
0x54: {  	v3 =	vand.u32 $0x7, v3  }
0x55: {  	v3 =	vor.u32 v3, v4  }
0x56: {  	v4 =	vperm.xlane v3, v0;
	_ =	sdelay $0x1  }
0x57: {  	v4 =	vadd.s32 v1, v4;
	_ =	sdelay $0x3  }
0x58: {  	v3 =	vperm.xlane v3, v2  }
0x59: {  	[tilespmem:s25], [sflag:$0x1] =	stream.indirect_vreg.gather [hbm4b:s3+s2], $0x80, v4, vm0, $0xb8;
	[tilespmem:$0xC080] =	vst v63  }
0x5a: {  	v3 =	vadd.s32 v1, v3  }
0x5b: {  	[tilespmem:s26], [sflag:$0x1] =	stream.indirect_vreg.gather [hbm4b:s4+s2], $0x80, v4, vm0, $0xb8;
	[tilespmem:$0xC080] =	vst v63  }
0x5c: {  	_ = 	snop  }
0x5d: {  	[tilespmem:s28], [sflag:$0x1] =	stream.indirect_vreg.gather [hbm4b:s5+s2], $0x80, v4, vm0, $0xb8;
	[tilespmem:$0xC080] =	vst v63  }
0x5e: {  	_ = 	snop  }
0x5f: {  	[tilespmem:s29], [sflag:$0x1] =	stream.indirect_vreg.gather [hbm4b:s3+s2], $0x80, v3, vm0, $0xb8;
	[tilespmem:$0xC080] =	vst v63  }
0x60: {  	_ = 	snop  }
0x61: {  	[tilespmem:s30], [sflag:$0x1] =	stream.indirect_vreg.gather [hbm4b:s4+s2], $0x80, v3, vm0, $0xb8;
	[tilespmem:$0xC080] =	vst v63  }
0x62: {  	_ = 	snop  }
0x63: {  	[tilespmem:s31], [sflag:$0x1] =	stream.indirect_vreg.gather [hbm4b:s5+s2], $0x80, v3, vm0, $0xb8;
	[tilespmem:$0xC080] =	vst v63  }
0x64: {  	_ =	swait.ge [sflag:s0], $0xC000  }
0x65: {  	p0 =	sne.s32 s6, $0x1;
	[sflag:s0] =	ssyncset.done $0x0  }
.Ltmp0:
0x66: {  	s1 =	rddreg [dreg:$0x4];
	[sflag:s0] =	ssyncadd.s32 $0xFFFF4000;
	(pc) =	sbr.rel @p0 .LBB2_1-.Ltmp0, $4  }
0x67: {  	[hbm4b:s1+s2] =	stream.linear.scatter [tilespmem:s8], [sflag:$0x2], $0xC000, $0x38;
	[tilespmem:$0xC080] =	vst v63  }
0x68: {  	_ =	swait.ge [sflag:s7], $0xC000  }
0x69: {  	[sflag:s7] =	ssyncset.done $0x0  }
0x6a: {  	s6 =	sadd.s32 $0xFFFFFFFF, s6;
	[sflag:s7] =	ssyncadd.s32 $0xFFFF4000  }
0x6b: {  	_ =	sfence.sel $0x180000  }
0x6c: {  	[bflag:$0x0] =	sbarrier.arrive $0xFFFF  }
0x6d: {  	_ =	strace $0x9000004A  }
0x6e: {  	s0 =	stileid.u32;
	[bflag:$0x2] =	sbarrier.arrive $0xFFFF  }
0x6f: {  	p0 =	sne.s32 s0, $0x0;
	s0 =	rddreg [dreg:$0x2]  }
0x70: {  	s0 =	sadd.s32 @!p0 $0x100000, s0  }
0x71: {  	[sflag:s0] =	ssyncadd.tile.s32 @!p0 $0x1;
	_ =	shalt  }
.Lfunc_end2:
_tile_overlayer_lowered:
.L_overlay_start_2:
0x72: {  	(tag) =	ssettag $0x2  }
0x73: {  	s0 =	rddreg [dreg:$0x0];
	s2 =	stileid.u32  }
0x74: {  	s1 =	rddreg [dreg:$0x1];
	p0 =	sne.s32 s2, $0x0  }
0x75: {  	s3 =	rddreg [dreg:$0x2];
	[bflag:$0x3] =	sbarrier.arrive $0xFFFF;
	s2 =	simm.s32 @!p0 $0x1C02  }
0x76: {  	[timem:s3], [sflag:s2] =	dma.local @!p0 [hbm:s0], s1  }
0x77: {  	s0 =	simm.s32 @!p0 $0x2  }
0x78: {  	_ =	swait.ge @!p0 [sflag:s0], s1  }
0x79: {  	s1 =	ssub.s32 @!p0 $0x0, s1;
	[sflag:s0] =	ssyncset.done @!p0 $0x0  }
0x7a: {  	[sflag:s0] =	ssyncadd.s32 @!p0 s1  }
0x7b: {  	[bflag:$0x3] =	sbarrier.arrive $0xFFFF  }
0x7c: {  	_ =	shalt  }

</sc_bundles>
